<compile_context>
chip_gen: v7x
topology: tpu7x:2x2x1
jax: 0.10.2.dev20260603
libtpu: 0.0.44.dev20260713+nightly
codegen_flags: <defaults>
</compile_context>

<pallas_src>
import jax
import jax.numpy as jnp
from jax import lax
from jax.experimental import pallas as pl
from jax.experimental.pallas import tpu as pltpu
from jax.experimental.pallas import tpu_sc as plsc

NE = 8
DM = 768
DF = 768
BS = 2048
BM = 256
NBLK = (2 * BS) // BM + NE - 1
PLEN = NBLK * BM
NC = 2
NS = 16
NW = NC * NS
TPW = BS // NW


def _router_body(x_ref, gw_ref, s0_ref, s1_ref, w0_ref, w1_ref, be_ref):
    x = x_ref[...]
    logits = jnp.dot(x, gw_ref[...], preferred_element_type=jnp.float32)
    eiota = lax.broadcasted_iota(jnp.int32, (BS, NE), 1)
    m1 = jnp.max(logits, axis=1, keepdims=True)
    a1 = jnp.min(jnp.where(logits == m1, eiota, NE), axis=1, keepdims=True)
    masked = jnp.where(eiota == a1, -jnp.inf, logits)
    m2 = jnp.max(masked, axis=1, keepdims=True)
    a2 = jnp.min(jnp.where(masked == m2, eiota, NE), axis=1, keepdims=True)
    w0 = 1.0 / (1.0 + jnp.exp(m2 - m1))
    w0_ref[...] = w0
    w1_ref[...] = 1.0 - w0

    C = ((eiota == a1).astype(jnp.float32) + (eiota == a2).astype(jnp.float32))
    CH = 256
    NCH = BS // CH
    r = lax.broadcasted_iota(jnp.int32, (CH, CH), 0)
    c = lax.broadcasted_iota(jnp.int32, (CH, CH), 1)
    L = (c <= r).astype(jnp.float32)
    C3 = C.reshape(NCH, CH, NE)
    inc = jax.lax.dot_general(
        jnp.broadcast_to(L, (NCH, CH, CH)), C3,
        dimension_numbers=(((2,), (1,)), ((0,), (0,))),
        preferred_element_type=jnp.float32)
    totals = inc[:, CH - 1, :]
    ic = lax.broadcasted_iota(jnp.int32, (NCH, NCH), 0)
    jc = lax.broadcasted_iota(jnp.int32, (NCH, NCH), 1)
    Msl = (jc < ic).astype(jnp.float32)
    choff = jnp.dot(Msl, totals,
                    preferred_element_type=jnp.float32)
    R = ((inc + choff[:, None, :]).reshape(BS, NE) - C).astype(jnp.int32)
    run = totals[NCH - 1:NCH, :] + choff[NCH - 1:NCH, :]
    counts = run.astype(jnp.int32)
    pc = ((counts + (BM - 1)) // BM) * BM
    i8 = lax.broadcasted_iota(jnp.int32, (NE, NE), 0)
    j8 = lax.broadcasted_iota(jnp.int32, (NE, NE), 1)
    M8 = (i8 < j8).astype(jnp.float32)
    off = jnp.dot(pc.astype(jnp.float32), M8,
                  preferred_element_type=jnp.float32).astype(jnp.int32)

    def sel(a, mat):
        return jnp.sum(jnp.where(eiota == a, mat, 0), axis=1, keepdims=True)

    offb = jnp.broadcast_to(off, (BS, NE))
    s0_ref[...] = sel(a1, offb) + sel(a1, R)
    s1_ref[...] = sel(a2, offb) + sel(a2, R)

    bnd = jnp.broadcast_to(off + pc, (NBLK, NE))
    bio = lax.broadcasted_iota(jnp.int32, (NBLK, NE), 0) * BM
    be_ref[...] = jnp.minimum(
        jnp.sum((bio >= bnd).astype(jnp.int32), axis=1, keepdims=True), NE - 1)


def _run_router(x, gate_w):
    return pl.pallas_call(
        _router_body,
        out_shape=[
            jax.ShapeDtypeStruct((BS, 1), jnp.int32),
            jax.ShapeDtypeStruct((BS, 1), jnp.int32),
            jax.ShapeDtypeStruct((BS, 1), jnp.float32),
            jax.ShapeDtypeStruct((BS, 1), jnp.float32),
            jax.ShapeDtypeStruct((NBLK, 1), jnp.int32),
        ],
    )(x, gate_w)


def _make_scatter():
    mesh = plsc.VectorSubcoreMesh(core_axis_name="c", subcore_axis_name="s",
                                  num_cores=NC, num_subcores=NS)

    def body(x_hbm, s0_hbm, s1_hbm, xs_hbm, rows, idx0, idx1, sem0, sem1):
        wid = lax.axis_index("s") * NC + lax.axis_index("c")
        base = wid * TPW
        pltpu.sync_copy(s0_hbm.at[pl.ds(base, TPW)], idx0)
        pltpu.sync_copy(s1_hbm.at[pl.ds(base, TPW)], idx1)
        pltpu.sync_copy(x_hbm.at[pl.ds(base, TPW)], rows)
        c0 = pltpu.async_copy(rows, xs_hbm.at[idx0], sem0)
        c1 = pltpu.async_copy(rows, xs_hbm.at[idx1], sem1)
        c0.wait()
        c1.wait()

    return pl.kernel(
        body,
        out_type=jax.ShapeDtypeStruct((PLEN, DM), jnp.float32),
        mesh=mesh,
        scratch_types=[
            pltpu.VMEM((TPW, DM), jnp.float32),
            pltpu.VMEM((TPW,), jnp.int32),
            pltpu.VMEM((TPW,), jnp.int32),
            pltpu.SemaphoreType.DMA,
            pltpu.SemaphoreType.DMA,
        ],
    )


def _ffn_body(be_ref, xs_ref, gu_ref, dn_ref, ys_ref):
    xb = xs_ref[...]
    gu = jnp.dot(xb, gu_ref[0], preferred_element_type=jnp.float32)
    g = gu[:, :DF]
    u = gu[:, DF:]
    h = u * (g * jax.nn.sigmoid(g))
    ys_ref[...] = jnp.dot(h, dn_ref[0], preferred_element_type=jnp.float32)


def _run_ffn(block_expert, x_sorted, gate_up_proj, down_proj):
    grid_spec = pltpu.PrefetchScalarGridSpec(
        num_scalar_prefetch=1,
        grid=(NBLK,),
        in_specs=[
            pl.BlockSpec((BM, DM), lambda b, be: (b, 0)),
            pl.BlockSpec((1, DM, 2 * DF), lambda b, be: (be[b], 0, 0)),
            pl.BlockSpec((1, DF, DM), lambda b, be: (be[b], 0, 0)),
        ],
        out_specs=pl.BlockSpec((BM, DM), lambda b, be: (b, 0)),
    )
    return pl.pallas_call(
        _ffn_body,
        grid_spec=grid_spec,
        out_shape=jax.ShapeDtypeStruct((PLEN, DM), jnp.float32),
    )(block_expert, x_sorted, gate_up_proj, down_proj)


def _bcast16(vec16, i):
    dn = lax.GatherDimensionNumbers(
        offset_dims=(), collapsed_slice_dims=(0,), start_index_map=(0,))
    idx = jnp.full((16, 1), i, jnp.int32)
    return lax.gather(vec16, idx, dn, slice_sizes=(1,),
                      mode=lax.GatherScatterMode.PROMISE_IN_BOUNDS)



def _make_combine():
    mesh = plsc.VectorSubcoreMesh(core_axis_name="c", subcore_axis_name="s",
                                  num_cores=NC, num_subcores=NS)

    def body(ys_hbm, s0_hbm, s1_hbm, w0_hbm, w1_hbm, out_hbm,
             b0, b1, idx0, idx1, wb0, wb1, sem0, sem1):
        wid = lax.axis_index("s") * NC + lax.axis_index("c")
        base = wid * TPW
        pltpu.sync_copy(s0_hbm.at[pl.ds(base, TPW)], idx0)
        pltpu.sync_copy(s1_hbm.at[pl.ds(base, TPW)], idx1)
        pltpu.sync_copy(w0_hbm.at[pl.ds(base, TPW)], wb0)
        pltpu.sync_copy(w1_hbm.at[pl.ds(base, TPW)], wb1)
        g0 = pltpu.async_copy(ys_hbm.at[idx0], b0, sem0)
        g1 = pltpu.async_copy(ys_hbm.at[idx1], b1, sem1)
        g0.wait()
        g1.wait()

        def tok(t, carry):
            tc = (t // 16) * 16
            tm = t - tc
            w0v = _bcast16(wb0[pl.ds(tc, 16)], tm)
            w1v = _bcast16(wb1[pl.ds(tc, 16)], tm)
            for ci in range(DM // 16):
                sl = pl.ds(ci * 16, 16)
                b0[t, sl] = w0v * b0[t, sl] + w1v * b1[t, sl]
            return carry

        lax.fori_loop(0, TPW, tok, 0)
        pltpu.sync_copy(b0, out_hbm.at[pl.ds(base, TPW)])

    return pl.kernel(
        body,
        out_type=jax.ShapeDtypeStruct((BS, DM), jnp.float32),
        mesh=mesh,
        scratch_types=[
            pltpu.VMEM((TPW, DM), jnp.float32),
            pltpu.VMEM((TPW, DM), jnp.float32),
            pltpu.VMEM((TPW,), jnp.int32),
            pltpu.VMEM((TPW,), jnp.int32),
            pltpu.VMEM((TPW,), jnp.float32),
            pltpu.VMEM((TPW,), jnp.float32),
            pltpu.SemaphoreType.DMA,
            pltpu.SemaphoreType.DMA,
        ],
    )


def kernel(hidden_states, gate_w, gate_up_proj, down_proj):
    B, S, D = hidden_states.shape
    x = hidden_states.reshape(B * S, D)
    s0, s1, w0, w1, be = _run_router(x, gate_w)
    s0 = s0.reshape(BS)
    s1 = s1.reshape(BS)
    w0 = w0.reshape(BS)
    w1 = w1.reshape(BS)
    be = be.reshape(NBLK)
    x_sorted = _make_scatter()(x, s0, s1)
    y_sorted = _run_ffn(be, x_sorted, gate_up_proj, down_proj)
    out = _make_combine()(y_sorted, s0, s1, w0, w1)
    return out.reshape(B, S, D)

# --- scband reference (transcript-rebuilt; emitter-appended) ---
"""Pipeline reference for scband-qwen-moe-wrapper-skip-attn-32461362823837 (READ-ONLY COPY).

The authoritative reference and input builder live on the scoring server;
editing this copy changes nothing except your own understanding.
"""

import jax, jax.numpy as jnp
import numpy as np

NUM_EXPERTS = 8
TOP_K = 2
D_MODEL = 768
D_FF = 768
BATCH = 1
SEQ = 2048


def setup_inputs(seed: int = 0) -> dict:
    key = jax.random.key(seed)
    k1, k2, k3, k4 = jax.random.split(key, 4)
    hidden_states = jax.random.normal(k1, (BATCH, SEQ, D_MODEL), dtype=jnp.float32)
    gate_w = jax.random.normal(k2, (D_MODEL, NUM_EXPERTS), dtype=jnp.float32) * 0.02
    gate_up_proj = jax.random.normal(k3, (NUM_EXPERTS, D_MODEL, 2 * D_FF), dtype=jnp.float32) * 0.02
    down_proj = jax.random.normal(k4, (NUM_EXPERTS, D_FF, D_MODEL), dtype=jnp.float32) * 0.02
    return {
        "hidden_states": hidden_states,
        "gate_w": gate_w,
        "gate_up_proj": gate_up_proj,
        "down_proj": down_proj,
    }


def reference(hidden_states, gate_w, gate_up_proj, down_proj):
    B, S, D = hidden_states.shape
    bs = B * S
    x = hidden_states.reshape(bs, D)
    # router gate
    router_logits = x @ gate_w
    routing_weights = jax.nn.softmax(router_logits, axis=-1)
    routing_weights, selected_experts = jax.lax.top_k(routing_weights, TOP_K)
    routing_weights = routing_weights / jnp.sum(routing_weights, axis=-1, keepdims=True)
    # layer_id=10 and no modality info set (_has_modality=False): skip masking branches
    # scatter normalized weights back to dense [bs, num_experts]
    scattered = jnp.zeros((bs, NUM_EXPERTS), dtype=routing_weights.dtype)
    scattered = scattered.at[jnp.arange(bs)[:, None], selected_experts].set(routing_weights)
    # Qwen3VLMoe fused experts (inference path): dense bmm over all experts
    gate_up = jnp.einsum('td,edf->etf', x, gate_up_proj)
    gate, up = jnp.split(gate_up, 2, axis=-1)
    h = up * jax.nn.silu(gate)
    y = jnp.einsum('etf,efd->etd', h, down_proj)
    out = jnp.einsum('etd,te->td', y, scattered)
    return out.reshape(B, S, D)

if __name__ == "__main__":
    import jax
    _d = setup_inputs()
    print(jax.jit(kernel)(*tuple(_d.values())))

</pallas_src>

<mosaic_0001>
#map = affine_map<(d0, d1) -> (0, 0)>
#map1 = affine_map<(d0, d1) -> (0)>
module attributes {stable_mosaic.version = 14 : i64} {
  func.func @body(%arg0: i32, %arg1: i32, %arg2: memref<2048x768xf32, #tpu.memory_space<hbm>>, %arg3: memref<2048xi32, #tpu.memory_space<hbm>>, %arg4: memref<2048xi32, #tpu.memory_space<hbm>>, %arg5: memref<5888x768xf32, #tpu.memory_space<hbm>>, %arg6: memref<64x768xf32, #tpu.memory_space<vmem>>, %arg7: memref<64xi32, #tpu.memory_space<vmem>>, %arg8: memref<64xi32, #tpu.memory_space<vmem>>, %arg9: memref<!tpu.dma_semaphore, #tpu.memory_space<semaphore_mem>>, %arg10: memref<!tpu.dma_semaphore, #tpu.memory_space<semaphore_mem>>) attributes {dimension_semantics = [#tpu.dimension_semantics<core_parallel>, #tpu.dimension_semantics<subcore_parallel>], iteration_bounds = array<i64: 2, 16>, scalar_prefetch = 0 : i64, scratch_operands = 5 : i64, tpu.core_type = #tpu.core_type<sc_vector_subcore>, window_params = [{transform_indices = #map}, {transform_indices = #map1}, {transform_indices = #map1}, {transform_indices = #map}]} {
    %mul3A = arith.constant 2 : i32
    %mul3A_0 = arith.muli %arg1, %mul3A : i32
    %add3A = arith.addi %mul3A_0, %arg0 : i32
    %mul3A_1 = arith.constant 64 : i32
    %mul3A_2 = arith.muli %add3A, %mul3A_1 : i32
    "tpu.region"() ({
      %run_scoped3A = tpu.sem_alloc : memref<!tpu.dma_semaphore, #tpu.memory_space<semaphore_mem>>
      %dma_start3A_13 = tpu.memref_slice %arg3[%mul3A_2] : memref<2048xi32, #tpu.memory_space<hbm>> -> memref<64xi32, #tpu.memory_space<hbm>>
      %dma_start3A_14 = tpu.memref_slice %arg3[%mul3A_2] : memref<2048xi32, #tpu.memory_space<hbm>> -> memref<64xi32, #tpu.memory_space<hbm>>
      tpu.enqueue_dma source(%dma_start3A_14 : memref<64xi32, #tpu.memory_space<hbm>>) target(%arg7 : memref<64xi32, #tpu.memory_space<vmem>>) target_semaphore(%run_scoped3A : memref<!tpu.dma_semaphore, #tpu.memory_space<semaphore_mem>>)
      %dma_wait3A_15 = tpu.memref_slice %arg3[%mul3A_2] : memref<2048xi32, #tpu.memory_space<hbm>> -> memref<64xi32, #tpu.memory_space<hbm>>
      %dma_wait3A_16 = tpu.memref_slice %arg3[%mul3A_2] : memref<2048xi32, #tpu.memory_space<hbm>> -> memref<64xi32, #tpu.memory_space<hbm>>
      tpu.wait_dma2 semaphore(%run_scoped3A : memref<!tpu.dma_semaphore, #tpu.memory_space<semaphore_mem>>) src(%dma_wait3A_16 : memref<64xi32, #tpu.memory_space<hbm>>) dst(%arg7 : memref<64xi32, #tpu.memory_space<vmem>>)
      tpu.yield
    }) : () -> ()
    "tpu.region"() ({
      %run_scoped3A = tpu.sem_alloc : memref<!tpu.dma_semaphore, #tpu.memory_space<semaphore_mem>>
      %dma_start3A_13 = tpu.memref_slice %arg4[%mul3A_2] : memref<2048xi32, #tpu.memory_space<hbm>> -> memref<64xi32, #tpu.memory_space<hbm>>
      %dma_start3A_14 = tpu.memref_slice %arg4[%mul3A_2] : memref<2048xi32, #tpu.memory_space<hbm>> -> memref<64xi32, #tpu.memory_space<hbm>>
      tpu.enqueue_dma source(%dma_start3A_14 : memref<64xi32, #tpu.memory_space<hbm>>) target(%arg8 : memref<64xi32, #tpu.memory_space<vmem>>) target_semaphore(%run_scoped3A : memref<!tpu.dma_semaphore, #tpu.memory_space<semaphore_mem>>)
      %dma_wait3A_15 = tpu.memref_slice %arg4[%mul3A_2] : memref<2048xi32, #tpu.memory_space<hbm>> -> memref<64xi32, #tpu.memory_space<hbm>>
      %dma_wait3A_16 = tpu.memref_slice %arg4[%mul3A_2] : memref<2048xi32, #tpu.memory_space<hbm>> -> memref<64xi32, #tpu.memory_space<hbm>>
      tpu.wait_dma2 semaphore(%run_scoped3A : memref<!tpu.dma_semaphore, #tpu.memory_space<semaphore_mem>>) src(%dma_wait3A_16 : memref<64xi32, #tpu.memory_space<hbm>>) dst(%arg8 : memref<64xi32, #tpu.memory_space<vmem>>)
      tpu.yield
    }) : () -> ()
    "tpu.region"() ({
      %run_scoped3A = tpu.sem_alloc : memref<!tpu.dma_semaphore, #tpu.memory_space<semaphore_mem>>
      %dma_start3A_13 = arith.constant 0 : i32
      %dma_start3A_14 = tpu.memref_slice %arg2[%mul3A_2, %dma_start3A_13] : memref<2048x768xf32, #tpu.memory_space<hbm>> -> memref<64x768xf32, #tpu.memory_space<hbm>>
      %dma_start3A_15 = arith.constant 0 : i32
      %dma_start3A_16 = tpu.memref_slice %arg2[%mul3A_2, %dma_start3A_15] : memref<2048x768xf32, #tpu.memory_space<hbm>> -> memref<64x768xf32, #tpu.memory_space<hbm>>
      tpu.enqueue_dma source(%dma_start3A_16 : memref<64x768xf32, #tpu.memory_space<hbm>>) target(%arg6 : memref<64x768xf32, #tpu.memory_space<vmem>>) target_semaphore(%run_scoped3A : memref<!tpu.dma_semaphore, #tpu.memory_space<semaphore_mem>>)
      %dma_wait3A_17 = arith.constant 0 : i32
      %dma_wait3A_18 = tpu.memref_slice %arg2[%mul3A_2, %dma_wait3A_17] : memref<2048x768xf32, #tpu.memory_space<hbm>> -> memref<64x768xf32, #tpu.memory_space<hbm>>
      %dma_wait3A_19 = arith.constant 0 : i32
      %dma_wait3A_20 = tpu.memref_slice %arg2[%mul3A_2, %dma_wait3A_19] : memref<2048x768xf32, #tpu.memory_space<hbm>> -> memref<64x768xf32, #tpu.memory_space<hbm>>
      tpu.wait_dma2 semaphore(%run_scoped3A : memref<!tpu.dma_semaphore, #tpu.memory_space<semaphore_mem>>) src(%dma_wait3A_20 : memref<64x768xf32, #tpu.memory_space<hbm>>) dst(%arg6 : memref<64x768xf32, #tpu.memory_space<vmem>>)
      tpu.yield
    }) : () -> ()
    %dma_start3A = arith.constant 0 : i32
    %dma_start3A_3 = arith.constant 0 : i32
    %dma_start3A_4 = tpu.memref_slice %arg5[%dma_start3A, %dma_start3A_3] : memref<5888x768xf32, #tpu.memory_space<hbm>> -> memref<5888x768xf32, #tpu.memory_space<hbm>>
    tpu.enqueue_indirect_dma source(%arg6 : memref<64x768xf32, #tpu.memory_space<vmem>>) target(%dma_start3A_4 : memref<5888x768xf32, #tpu.memory_space<hbm>>) offsets(%arg7 : memref<64xi32, #tpu.memory_space<vmem>>) semaphore(%arg9 : memref<!tpu.dma_semaphore, #tpu.memory_space<semaphore_mem>>)
    %dma_start3A_5 = arith.constant 0 : i32
    %dma_start3A_6 = arith.constant 0 : i32
    %dma_start3A_7 = tpu.memref_slice %arg5[%dma_start3A_5, %dma_start3A_6] : memref<5888x768xf32, #tpu.memory_space<hbm>> -> memref<5888x768xf32, #tpu.memory_space<hbm>>
    tpu.enqueue_indirect_dma source(%arg6 : memref<64x768xf32, #tpu.memory_space<vmem>>) target(%dma_start3A_7 : memref<5888x768xf32, #tpu.memory_space<hbm>>) offsets(%arg8 : memref<64xi32, #tpu.memory_space<vmem>>) semaphore(%arg10 : memref<!tpu.dma_semaphore, #tpu.memory_space<semaphore_mem>>)
    %dma_wait3A = arith.constant 0 : i32
    %dma_wait3A_8 = arith.constant 0 : i32
    %dma_wait3A_9 = tpu.memref_slice %arg5[%dma_wait3A, %dma_wait3A_8] : memref<5888x768xf32, #tpu.memory_space<hbm>> -> memref<5888x768xf32, #tpu.memory_space<hbm>>
    tpu.wait_indirect_dma semaphore(%arg9 : memref<!tpu.dma_semaphore, #tpu.memory_space<semaphore_mem>>) src(%arg6 : memref<64x768xf32, #tpu.memory_space<vmem>>) dst(%dma_wait3A_9 : memref<5888x768xf32, #tpu.memory_space<hbm>>)
    %dma_wait3A_10 = arith.constant 0 : i32
    %dma_wait3A_11 = arith.constant 0 : i32
    %dma_wait3A_12 = tpu.memref_slice %arg5[%dma_wait3A_10, %dma_wait3A_11] : memref<5888x768xf32, #tpu.memory_space<hbm>> -> memref<5888x768xf32, #tpu.memory_space<hbm>>
    tpu.wait_indirect_dma semaphore(%arg10 : memref<!tpu.dma_semaphore, #tpu.memory_space<semaphore_mem>>) src(%arg6 : memref<64x768xf32, #tpu.memory_space<vmem>>) dst(%dma_wait3A_12 : memref<5888x768xf32, #tpu.memory_space<hbm>>)
    return
  }
}

#map = affine_map<(d0, d1) -> (0, 0)>
#map1 = affine_map<(d0, d1) -> (0)>
module attributes {stable_mosaic.version = 14 : i64} {
  func.func @body(%arg0: i32, %arg1: i32, %arg2: memref<5888x768xf32, #tpu.memory_space<hbm>>, %arg3: memref<2048xi32, #tpu.memory_space<hbm>>, %arg4: memref<2048xi32, #tpu.memory_space<hbm>>, %arg5: memref<2048xf32, #tpu.memory_space<hbm>>, %arg6: memref<2048xf32, #tpu.memory_space<hbm>>, %arg7: memref<2048x768xf32, #tpu.memory_space<hbm>>, %arg8: memref<64x768xf32, #tpu.memory_space<vmem>>, %arg9: memref<64x768xf32, #tpu.memory_space<vmem>>, %arg10: memref<64xi32, #tpu.memory_space<vmem>>, %arg11: memref<64xi32, #tpu.memory_space<vmem>>, %arg12: memref<64xf32, #tpu.memory_space<vmem>>, %arg13: memref<64xf32, #tpu.memory_space<vmem>>, %arg14: memref<!tpu.dma_semaphore, #tpu.memory_space<semaphore_mem>>, %arg15: memref<!tpu.dma_semaphore, #tpu.memory_space<semaphore_mem>>) attributes {dimension_semantics = [#tpu.dimension_semantics<core_parallel>, #tpu.dimension_semantics<subcore_parallel>], iteration_bounds = array<i64: 2, 16>, scalar_prefetch = 0 : i64, scratch_operands = 8 : i64, tpu.core_type = #tpu.core_type<sc_vector_subcore>, window_params = [{transform_indices = #map}, {transform_indices = #map1}, {transform_indices = #map1}, {transform_indices = #map1}, {transform_indices = #map1}, {transform_indices = #map}]} {
    %mul3A = arith.constant 2 : i32
    %mul3A_0 = arith.muli %arg1, %mul3A : i32
    %add3A = arith.addi %mul3A_0, %arg0 : i32
    %mul3A_1 = arith.constant 64 : i32
    %mul3A_2 = arith.muli %add3A, %mul3A_1 : i32
    "tpu.region"() ({
      %run_scoped3A = tpu.sem_alloc : memref<!tpu.dma_semaphore, #tpu.memory_space<semaphore_mem>>
      %dma_start3A_18 = tpu.memref_slice %arg3[%mul3A_2] : memref<2048xi32, #tpu.memory_space<hbm>> -> memref<64xi32, #tpu.memory_space<hbm>>
      %dma_start3A_19 = tpu.memref_slice %arg3[%mul3A_2] : memref<2048xi32, #tpu.memory_space<hbm>> -> memref<64xi32, #tpu.memory_space<hbm>>
      tpu.enqueue_dma source(%dma_start3A_19 : memref<64xi32, #tpu.memory_space<hbm>>) target(%arg10 : memref<64xi32, #tpu.memory_space<vmem>>) target_semaphore(%run_scoped3A : memref<!tpu.dma_semaphore, #tpu.memory_space<semaphore_mem>>)
      %dma_wait3A_20 = tpu.memref_slice %arg3[%mul3A_2] : memref<2048xi32, #tpu.memory_space<hbm>> -> memref<64xi32, #tpu.memory_space<hbm>>
      %dma_wait3A_21 = tpu.memref_slice %arg3[%mul3A_2] : memref<2048xi32, #tpu.memory_space<hbm>> -> memref<64xi32, #tpu.memory_space<hbm>>
      tpu.wait_dma2 semaphore(%run_scoped3A : memref<!tpu.dma_semaphore, #tpu.memory_space<semaphore_mem>>) src(%dma_wait3A_21 : memref<64xi32, #tpu.memory_space<hbm>>) dst(%arg10 : memref<64xi32, #tpu.memory_space<vmem>>)
      tpu.yield
    }) : () -> ()
    "tpu.region"() ({
      %run_scoped3A = tpu.sem_alloc : memref<!tpu.dma_semaphore, #tpu.memory_space<semaphore_mem>>
      %dma_start3A_18 = tpu.memref_slice %arg4[%mul3A_2] : memref<2048xi32, #tpu.memory_space<hbm>> -> memref<64xi32, #tpu.memory_space<hbm>>
      %dma_start3A_19 = tpu.memref_slice %arg4[%mul3A_2] : memref<2048xi32, #tpu.memory_space<hbm>> -> memref<64xi32, #tpu.memory_space<hbm>>
      tpu.enqueue_dma source(%dma_start3A_19 : memref<64xi32, #tpu.memory_space<hbm>>) target(%arg11 : memref<64xi32, #tpu.memory_space<vmem>>) target_semaphore(%run_scoped3A : memref<!tpu.dma_semaphore, #tpu.memory_space<semaphore_mem>>)
      %dma_wait3A_20 = tpu.memref_slice %arg4[%mul3A_2] : memref<2048xi32, #tpu.memory_space<hbm>> -> memref<64xi32, #tpu.memory_space<hbm>>
      %dma_wait3A_21 = tpu.memref_slice %arg4[%mul3A_2] : memref<2048xi32, #tpu.memory_space<hbm>> -> memref<64xi32, #tpu.memory_space<hbm>>
      tpu.wait_dma2 semaphore(%run_scoped3A : memref<!tpu.dma_semaphore, #tpu.memory_space<semaphore_mem>>) src(%dma_wait3A_21 : memref<64xi32, #tpu.memory_space<hbm>>) dst(%arg11 : memref<64xi32, #tpu.memory_space<vmem>>)
      tpu.yield
    }) : () -> ()
    "tpu.region"() ({
      %run_scoped3A = tpu.sem_alloc : memref<!tpu.dma_semaphore, #tpu.memory_space<semaphore_mem>>
      %dma_start3A_18 = tpu.memref_slice %arg5[%mul3A_2] : memref<2048xf32, #tpu.memory_space<hbm>> -> memref<64xf32, #tpu.memory_space<hbm>>
      %dma_start3A_19 = tpu.memref_slice %arg5[%mul3A_2] : memref<2048xf32, #tpu.memory_space<hbm>> -> memref<64xf32, #tpu.memory_space<hbm>>
      tpu.enqueue_dma source(%dma_start3A_19 : memref<64xf32, #tpu.memory_space<hbm>>) target(%arg12 : memref<64xf32, #tpu.memory_space<vmem>>) target_semaphore(%run_scoped3A : memref<!tpu.dma_semaphore, #tpu.memory_space<semaphore_mem>>)
      %dma_wait3A_20 = tpu.memref_slice %arg5[%mul3A_2] : memref<2048xf32, #tpu.memory_space<hbm>> -> memref<64xf32, #tpu.memory_space<hbm>>
      %dma_wait3A_21 = tpu.memref_slice %arg5[%mul3A_2] : memref<2048xf32, #tpu.memory_space<hbm>> -> memref<64xf32, #tpu.memory_space<hbm>>
      tpu.wait_dma2 semaphore(%run_scoped3A : memref<!tpu.dma_semaphore, #tpu.memory_space<semaphore_mem>>) src(%dma_wait3A_21 : memref<64xf32, #tpu.memory_space<hbm>>) dst(%arg12 : memref<64xf32, #tpu.memory_space<vmem>>)
      tpu.yield
    }) : () -> ()
    "tpu.region"() ({
      %run_scoped3A = tpu.sem_alloc : memref<!tpu.dma_semaphore, #tpu.memory_space<semaphore_mem>>
      %dma_start3A_18 = tpu.memref_slice %arg6[%mul3A_2] : memref<2048xf32, #tpu.memory_space<hbm>> -> memref<64xf32, #tpu.memory_space<hbm>>
      %dma_start3A_19 = tpu.memref_slice %arg6[%mul3A_2] : memref<2048xf32, #tpu.memory_space<hbm>> -> memref<64xf32, #tpu.memory_space<hbm>>
      tpu.enqueue_dma source(%dma_start3A_19 : memref<64xf32, #tpu.memory_space<hbm>>) target(%arg13 : memref<64xf32, #tpu.memory_space<vmem>>) target_semaphore(%run_scoped3A : memref<!tpu.dma_semaphore, #tpu.memory_space<semaphore_mem>>)
      %dma_wait3A_20 = tpu.memref_slice %arg6[%mul3A_2] : memref<2048xf32, #tpu.memory_space<hbm>> -> memref<64xf32, #tpu.memory_space<hbm>>
      %dma_wait3A_21 = tpu.memref_slice %arg6[%mul3A_2] : memref<2048xf32, #tpu.memory_space<hbm>> -> memref<64xf32, #tpu.memory_space<hbm>>
      tpu.wait_dma2 semaphore(%run_scoped3A : memref<!tpu.dma_semaphore, #tpu.memory_space<semaphore_mem>>) src(%dma_wait3A_21 : memref<64xf32, #tpu.memory_space<hbm>>) dst(%arg13 : memref<64xf32, #tpu.memory_space<vmem>>)
      tpu.yield
    }) : () -> ()
    %dma_start3A = arith.constant 0 : i32
    %dma_start3A_3 = arith.constant 0 : i32
    %dma_start3A_4 = tpu.memref_slice %arg2[%dma_start3A, %dma_start3A_3] : memref<5888x768xf32, #tpu.memory_space<hbm>> -> memref<5888x768xf32, #tpu.memory_space<hbm>>
    tpu.enqueue_indirect_dma source(%dma_start3A_4 : memref<5888x768xf32, #tpu.memory_space<hbm>>) target(%arg8 : memref<64x768xf32, #tpu.memory_space<vmem>>) offsets(%arg10 : memref<64xi32, #tpu.memory_space<vmem>>) semaphore(%arg14 : memref<!tpu.dma_semaphore, #tpu.memory_space<semaphore_mem>>)
    %dma_start3A_5 = arith.constant 0 : i32
    %dma_start3A_6 = arith.constant 0 : i32
    %dma_start3A_7 = tpu.memref_slice %arg2[%dma_start3A_5, %dma_start3A_6] : memref<5888x768xf32, #tpu.memory_space<hbm>> -> memref<5888x768xf32, #tpu.memory_space<hbm>>
    tpu.enqueue_indirect_dma source(%dma_start3A_7 : memref<5888x768xf32, #tpu.memory_space<hbm>>) target(%arg9 : memref<64x768xf32, #tpu.memory_space<vmem>>) offsets(%arg11 : memref<64xi32, #tpu.memory_space<vmem>>) semaphore(%arg15 : memref<!tpu.dma_semaphore, #tpu.memory_space<semaphore_mem>>)
    %dma_wait3A = arith.constant 0 : i32
    %dma_wait3A_8 = arith.constant 0 : i32
    %dma_wait3A_9 = tpu.memref_slice %arg2[%dma_wait3A, %dma_wait3A_8] : memref<5888x768xf32, #tpu.memory_space<hbm>> -> memref<5888x768xf32, #tpu.memory_space<hbm>>
    tpu.wait_indirect_dma semaphore(%arg14 : memref<!tpu.dma_semaphore, #tpu.memory_space<semaphore_mem>>) src(%dma_wait3A_9 : memref<5888x768xf32, #tpu.memory_space<hbm>>) dst(%arg8 : memref<64x768xf32, #tpu.memory_space<vmem>>)
    %dma_wait3A_10 = arith.constant 0 : i32
    %dma_wait3A_11 = arith.constant 0 : i32
    %dma_wait3A_12 = tpu.memref_slice %arg2[%dma_wait3A_10, %dma_wait3A_11] : memref<5888x768xf32, #tpu.memory_space<hbm>> -> memref<5888x768xf32, #tpu.memory_space<hbm>>
    tpu.wait_indirect_dma semaphore(%arg15 : memref<!tpu.dma_semaphore, #tpu.memory_space<semaphore_mem>>) src(%dma_wait3A_12 : memref<5888x768xf32, #tpu.memory_space<hbm>>) dst(%arg9 : memref<64x768xf32, #tpu.memory_space<vmem>>)
    %scan3A = arith.constant 0 : i32
    %scan3A_13 = arith.constant 0 : i32
    %scan3A_14 = arith.constant 64 : i32
    %scan3A_15 = arith.addi %scan3A_13, %scan3A_14 : i32
    %scan3A_16 = arith.constant 1 : i32
    scf.for %scan3A_18 = %scan3A_13 to %scan3A_15 step %scan3A_16  : i32 {
      %jit3A = arith.constant 16 : i32
      %div3A = arith.divsi %scan3A_18, %jit3A : i32
      %sign3A = arith.constant 0 : i32
      %sign3A_19 = arith.cmpi sgt, %scan3A_18, %sign3A : i32
      %sign3A_20 = arith.extui %sign3A_19 : i1 to i32
      %sign3A_21 = arith.constant 0 : i32
      %sign3A_22 = arith.cmpi slt, %scan3A_18, %sign3A_21 : i32
      %sign3A_23 = arith.extui %sign3A_22 : i1 to i32
      %sign3A_24 = arith.subi %sign3A_20, %sign3A_23 : i32
      %sign3A_25 = arith.constant 0 : i32
      %sign3A_26 = arith.cmpi sgt, %jit3A, %sign3A_25 : i32
      %sign3A_27 = arith.extui %sign3A_26 : i1 to i32
      %sign3A_28 = arith.constant 0 : i32
      %sign3A_29 = arith.cmpi slt, %jit3A, %sign3A_28 : i32
      %sign3A_30 = arith.extui %sign3A_29 : i1 to i32
      %sign3A_31 = arith.subi %sign3A_27, %sign3A_30 : i32
      %ne3A = arith.cmpi ne, %sign3A_24, %sign3A_31 : i32
      %rem3A = arith.remsi %scan3A_18, %jit3A : i32
      %ne3A_32 = arith.constant 0 : i32
      %ne3A_33 = arith.cmpi ne, %rem3A, %ne3A_32 : i32
      %and3A = arith.andi %ne3A, %ne3A_33 : i1
      %sub3A = arith.constant 1 : i32
      %sub3A_34 = arith.subi %div3A, %sub3A : i32
      %select_n3A = arith.select %and3A, %sub3A_34, %div3A : i32
      %mul3A_35 = arith.constant 16 : i32
      %mul3A_36 = arith.muli %select_n3A, %mul3A_35 : i32
      %sub3A_37 = arith.subi %scan3A_18, %mul3A_36 : i32
      %get3A = arith.index_cast %mul3A_36 : i32 to index
      %get3A_38 = tpu.vector_load %arg12[%get3A] {strides = array<i32>} : memref<64xf32, #tpu.memory_space<vmem>>, vector<16xf32>,
      %get3A_39 = vector.shape_cast %get3A_38 : vector<16xf32> to vector<16xf32>
      %broadcast_in_dim3A = vector.broadcast %sub3A_37 : i32 to vector<16x1xi32>
      %gather3A = vector.shape_cast %broadcast_in_dim3A : vector<16x1xi32> to vector<16xi32>
      %gather3A_40 = tpu.dynamic_gather %get3A_39[%gather3A] in [0] : vector<16xf32>, vector<16xi32> -> vector<16xf32>
      %get3A_41 = arith.index_cast %mul3A_36 : i32 to index
      %get3A_42 = tpu.vector_load %arg13[%get3A_41] {strides = array<i32>} : memref<64xf32, #tpu.memory_space<vmem>>, vector<16xf32>,
      %get3A_43 = vector.shape_cast %get3A_42 : vector<16xf32> to vector<16xf32>
      %broadcast_in_dim3A_44 = vector.broadcast %sub3A_37 : i32 to vector<16x1xi32>
      %gather3A_45 = vector.shape_cast %broadcast_in_dim3A_44 : vector<16x1xi32> to vector<16xi32>
      %gather3A_46 = tpu.dynamic_gather %get3A_43[%gather3A_45] in [0] : vector<16xf32>, vector<16xi32> -> vector<16xf32>
      %get3A_47 = arith.index_cast %scan3A_18 : i32 to index
      %get3A_48 = arith.constant 0 : index
      %get3A_49 = tpu.vector_load %arg8[%get3A_47, %get3A_48] {strides = array<i32>} : memref<64x768xf32, #tpu.memory_space<vmem>>, vector<1x16xf32>,
      %get3A_50 = vector.shape_cast %get3A_49 : vector<1x16xf32> to vector<16xf32>
      %mul3A_51 = arith.mulf %gather3A_40, %get3A_50 : vector<16xf32>
      %get3A_52 = arith.index_cast %scan3A_18 : i32 to index
      %get3A_53 = arith.constant 0 : index
      %get3A_54 = tpu.vector_load %arg9[%get3A_52, %get3A_53] {strides = array<i32>} : memref<64x768xf32, #tpu.memory_space<vmem>>, vector<1x16xf32>,
      %get3A_55 = vector.shape_cast %get3A_54 : vector<1x16xf32> to vector<16xf32>
      %mul3A_56 = arith.mulf %gather3A_46, %get3A_55 : vector<16xf32>
      %add3A_57 = arith.addf %mul3A_51, %mul3A_56 : vector<16xf32>
      %swap3A = arith.index_cast %scan3A_18 : i32 to index
      %swap3A_58 = arith.constant 0 : index
      %swap3A_59 = tpu.vector_load %arg8[%swap3A, %swap3A_58] {strides = array<i32>} : memref<64x768xf32, #tpu.memory_space<vmem>>, vector<1x16xf32>,
      %swap3A_60 = vector.shape_cast %swap3A_59 : vector<1x16xf32> to vector<16xf32>
      %swap3A_61 = vector.shape_cast %add3A_57 : vector<16xf32> to vector<1x16xf32>
      tpu.vector_store %arg8[%swap3A, %swap3A_58], %swap3A_61 {strides = array<i32>} : memref<64x768xf32, #tpu.memory_space<vmem>>, vector<1x16xf32>,
      %get3A_62 = arith.index_cast %scan3A_18 : i32 to index
      %get3A_63 = arith.constant 16 : index
      %get3A_64 = tpu.vector_load %arg8[%get3A_62, %get3A_63] {strides = array<i32>} : memref<64x768xf32, #tpu.memory_space<vmem>>, vector<1x16xf32>,
      %get3A_65 = vector.shape_cast %get3A_64 : vector<1x16xf32> to vector<16xf32>
      %mul3A_66 = arith.mulf %gather3A_40, %get3A_65 : vector<16xf32>
      %get3A_67 = arith.index_cast %scan3A_18 : i32 to index
      %get3A_68 = arith.constant 16 : index
      %get3A_69 = tpu.vector_load %arg9[%get3A_67, %get3A_68] {strides = array<i32>} : memref<64x768xf32, #tpu.memory_space<vmem>>, vector<1x16xf32>,
      %get3A_70 = vector.shape_cast %get3A_69 : vector<1x16xf32> to vector<16xf32>
      %mul3A_71 = arith.mulf %gather3A_46, %get3A_70 : vector<16xf32>
      %add3A_72 = arith.addf %mul3A_66, %mul3A_71 : vector<16xf32>
      %swap3A_73 = arith.index_cast %scan3A_18 : i32 to index
      %swap3A_74 = arith.constant 16 : index
      %swap3A_75 = tpu.vector_load %arg8[%swap3A_73, %swap3A_74] {strides = array<i32>} : memref<64x768xf32, #tpu.memory_space<vmem>>, vector<1x16xf32>,
      %swap3A_76 = vector.shape_cast %swap3A_75 : vector<1x16xf32> to vector<16xf32>
      %swap3A_77 = vector.shape_cast %add3A_72 : vector<16xf32> to vector<1x16xf32>
      tpu.vector_store %arg8[%swap3A_73, %swap3A_74], %swap3A_77 {strides = array<i32>} : memref<64x768xf32, #tpu.memory_space<vmem>>, vector<1x16xf32>,
      %get3A_78 = arith.index_cast %scan3A_18 : i32 to index
      %get3A_79 = arith.constant 32 : index
      %get3A_80 = tpu.vector_load %arg8[%get3A_78, %get3A_79] {strides = array<i32>} : memref<64x768xf32, #tpu.memory_space<vmem>>, vector<1x16xf32>,
      %get3A_81 = vector.shape_cast %get3A_80 : vector<1x16xf32> to vector<16xf32>
      %mul3A_82 = arith.mulf %gather3A_40, %get3A_81 : vector<16xf32>
      %get3A_83 = arith.index_cast %scan3A_18 : i32 to index
      %get3A_84 = arith.constant 32 : index
      %get3A_85 = tpu.vector_load %arg9[%get3A_83, %get3A_84] {strides = array<i32>} : memref<64x768xf32, #tpu.memory_space<vmem>>, vector<1x16xf32>,
      %get3A_86 = vector.shape_cast %get3A_85 : vector<1x16xf32> to vector<16xf32>
      %mul3A_87 = arith.mulf %gather3A_46, %get3A_86 : vector<16xf32>
      %add3A_88 = arith.addf %mul3A_82, %mul3A_87 : vector<16xf32>
      %swap3A_89 = arith.index_cast %scan3A_18 : i32 to index
      %swap3A_90 = arith.constant 32 : index
      %swap3A_91 = tpu.vector_load %arg8[%swap3A_89, %swap3A_90] {strides = array<i32>} : memref<64x768xf32, #tpu.memory_space<vmem>>, vector<1x16xf32>,
      %swap3A_92 = vector.shape_cast %swap3A_91 : vector<1x16xf32> to vector<16xf32>
      %swap3A_93 = vector.shape_cast %add3A_88 : vector<16xf32> to vector<1x16xf32>
      tpu.vector_store %arg8[%swap3A_89, %swap3A_90], %swap3A_93 {strides = array<i32>} : memref<64x768xf32, #tpu.memory_space<vmem>>, vector<1x16xf32>,
      %get3A_94 = arith.index_cast %scan3A_18 : i32 to index
      %get3A_95 = arith.constant 48 : index
      %get3A_96 = tpu.vector_load %arg8[%get3A_94, %get3A_95] {strides = array<i32>} : memref<64x768xf32, #tpu.memory_space<vmem>>, vector<1x16xf32>,
      %get3A_97 = vector.shape_cast %get3A_96 : vector<1x16xf32> to vector<16xf32>
      %mul3A_98 = arith.mulf %gather3A_40, %get3A_97 : vector<16xf32>
      %get3A_99 = arith.index_cast %scan3A_18 : i32 to index
      %get3A_100 = arith.constant 48 : index
      %get3A_101 = tpu.vector_load %arg9[%get3A_99, %get3A_100] {strides = array<i32>} : memref<64x768xf32, #tpu.memory_space<vmem>>, vector<1x16xf32>,
      %get3A_102 = vector.shape_cast %get3A_101 : vector<1x16xf32> to vector<16xf32>
      %mul3A_103 = arith.mulf %gather3A_46, %get3A_102 : vector<16xf32>
      %add3A_104 = arith.addf %mul3A_98, %mul3A_103 : vector<16xf32>
      %swap3A_105 = arith.index_cast %scan3A_18 : i32 to index
      %swap3A_106 = arith.constant 48 : index
      %swap3A_107 = tpu.vector_load %arg8[%swap3A_105, %swap3A_106] {strides = array<i32>} : memref<64x768xf32, #tpu.memory_space<vmem>>, vector<1x16xf32>,
      %swap3A_108 = vector.shape_cast %swap3A_107 : vector<1x16xf32> to vector<16xf32>
      %swap3A_109 = vector.shape_cast %add3A_104 : vector<16xf32> to vector<1x16xf32>
      tpu.vector_store %arg8[%swap3A_105, %swap3A_106], %swap3A_109 {strides = array<i32>} : memref<64x768xf32, #tpu.memory_space<vmem>>, vector<1x16xf32>,
      %get3A_110 = arith.index_cast %scan3A_18 : i32 to index
      %get3A_111 = arith.constant 64 : index
      %get3A_112 = tpu.vector_load %arg8[%get3A_110, %get3A_111] {strides = array<i32>} : memref<64x768xf32, #tpu.memory_space<vmem>>, vector<1x16xf32>,
      %get3A_113 = vector.shape_cast %get3A_112 : vector<1x16xf32> to vector<16xf32>
      %mul3A_114 = arith.mulf %gather3A_40, %get3A_113 : vector<16xf32>
      %get3A_115 = arith.index_cast %scan3A_18 : i32 to index
      %get3A_116 = arith.constant 64 : index
      %get3A_117 = tpu.vector_load %arg9[%get3A_115, %get3A_116] {strides = array<i32>} : memref<64x768xf32, #tpu.memory_space<vmem>>, vector<1x16xf32>,
      %get3A_118 = vector.shape_cast %get3A_117 : vector<1x16xf32> to vector<16xf32>
      %mul3A_119 = arith.mulf %gather3A_46, %get3A_118 : vector<16xf32>
      %add3A_120 = arith.addf %mul3A_114, %mul3A_119 : vector<16xf32>
      %swap3A_121 = arith.index_cast %scan3A_18 : i32 to index
      %swap3A_122 = arith.constant 64 : index
      %swap3A_123 = tpu.vector_load %arg8[%swap3A_121, %swap3A_122] {strides = array<i32>} : memref<64x768xf32, #tpu.memory_space<vmem>>, vector<1x16xf32>,
      %swap3A_124 = vector.shape_cast %swap3A_123 : vector<1x16xf32> to vector<16xf32>
      %swap3A_125 = vector.shape_cast %add3A_120 : vector<16xf32> to vector<1x16xf32>
      tpu.vector_store %arg8[%swap3A_121, %swap3A_122], %swap3A_125 {strides = array<i32>} : memref<64x768xf32, #tpu.memory_space<vmem>>, vector<1x16xf32>,
      %get3A_126 = arith.index_cast %scan3A_18 : i32 to index
      %get3A_127 = arith.constant 80 : index
      %get3A_128 = tpu.vector_load %arg8[%get3A_126, %get3A_127] {strides = array<i32>} : memref<64x768xf32, #tpu.memory_space<vmem>>, vector<1x16xf32>,
      %get3A_129 = vector.shape_cast %get3A_128 : vector<1x16xf32> to vector<16xf32>
      %mul3A_130 = arith.mulf %gather3A_40, %get3A_129 : vector<16xf32>
      %get3A_131 = arith.index_cast %scan3A_18 : i32 to index
      %get3A_132 = arith.constant 80 : index
      %get3A_133 = tpu.vector_load %arg9[%get3A_131, %get3A_132] {strides = array<i32>} : memref<64x768xf32, #tpu.memory_space<vmem>>, vector<1x16xf32>,
      %get3A_134 = vector.shape_cast %get3A_133 : vector<1x16xf32> to vector<16xf32>
      %mul3A_135 = arith.mulf %gather3A_46, %get3A_134 : vector<16xf32>
      %add3A_136 = arith.addf %mul3A_130, %mul3A_135 : vector<16xf32>
      %swap3A_137 = arith.index_cast %scan3A_18 : i32 to index
      %swap3A_138 = arith.constant 80 : index
      %swap3A_139 = tpu.vector_load %arg8[%swap3A_137, %swap3A_138] {strides = array<i32>} : memref<64x768xf32, #tpu.memory_space<vmem>>, vector<1x16xf32>,
      %swap3A_140 = vector.shape_cast %swap3A_139 : vector<1x16xf32> to vector<16xf32>
      %swap3A_141 = vector.shape_cast %add3A_136 : vector<16xf32> to vector<1x16xf32>
      tpu.vector_store %arg8[%swap3A_137, %swap3A_138], %swap3A_141 {strides = array<i32>} : memref<64x768xf32, #tpu.memory_space<vmem>>, vector<1x16xf32>,
      %get3A_142 = arith.index_cast %scan3A_18 : i32 to index
      %get3A_143 = arith.constant 96 : index
      %get3A_144 = tpu.vector_load %arg8[%get3A_142, %get3A_143] {strides = array<i32>} : memref<64x768xf32, #tpu.memory_space<vmem>>, vector<1x16xf32>,
      %get3A_145 = vector.shape_cast %get3A_144 : vector<1x16xf32> to vector<16xf32>
      %mul3A_146 = arith.mulf %gather3A_40, %get3A_145 : vector<16xf32>
      %get3A_147 = arith.index_cast %scan3A_18 : i32 to index
      %get3A_148 = arith.constant 96 : index
      %get3A_149 = tpu.vector_load %arg9[%get3A_147, %get3A_148] {strides = array<i32>} : memref<64x768xf32, #tpu.memory_space<vmem>>, vector<1x16xf32>,
      %get3A_150 = vector.shape_cast %get3A_149 : vector<1x16xf32> to vector<16xf32>
      %mul3A_151 = arith.mulf %gather3A_46, %get3A_150 : vector<16xf32>
      %add3A_152 = arith.addf %mul3A_146, %mul3A_151 : vector<16xf32>
      %swap3A_153 = arith.index_cast %scan3A_18 : i32 to index
      %swap3A_154 = arith.constant 96 : index
      %swap3A_155 = tpu.vector_load %arg8[%swap3A_153, %swap3A_154] {strides = array<i32>} : memref<64x768xf32, #tpu.memory_space<vmem>>, vector<1x16xf32>,
      %swap3A_156 = vector.shape_cast %swap3A_155 : vector<1x16xf32> to vector<16xf32>
      %swap3A_157 = vector.shape_cast %add3A_152 : vector<16xf32> to vector<1x16xf32>
      tpu.vector_store %arg8[%swap3A_153, %swap3A_154], %swap3A_157 {strides = array<i32>} : memref<64x768xf32, #tpu.memory_space<vmem>>, vector<1x16xf32>,
      %get3A_158 = arith.index_cast %scan3A_18 : i32 to index
      %get3A_159 = arith.constant 112 : index
      %get3A_160 = tpu.vector_load %arg8[%get3A_158, %get3A_159] {strides = array<i32>} : memref<64x768xf32, #tpu.memory_space<vmem>>, vector<1x16xf32>,
      %get3A_161 = vector.shape_cast %get3A_160 : vector<1x16xf32> to vector<16xf32>
      %mul3A_162 = arith.mulf %gather3A_40, %get3A_161 : vector<16xf32>
      %get3A_163 = arith.index_cast %scan3A_18 : i32 to index
      %get3A_164 = arith.constant 112 : index
      %get3A_165 = tpu.vector_load %arg9[%get3A_163, %get3A_164] {strides = array<i32>} : memref<64x768xf32, #tpu.memory_space<vmem>>, vector<1x16xf32>,
      %get3A_166 = vector.shape_cast %get3A_165 : vector<1x16xf32> to vector<16xf32>
      %mul3A_167 = arith.mulf %gather3A_46, %get3A_166 : vector<16xf32>
      %add3A_168 = arith.addf %mul3A_162, %mul3A_167 : vector<16xf32>
      %swap3A_169 = arith.index_cast %scan3A_18 : i32 to index
      %swap3A_170 = arith.constant 112 : index
      %swap3A_171 = tpu.vector_load %arg8[%swap3A_169, %swap3A_170] {strides = array<i32>} : memref<64x768xf32, #tpu.memory_space<vmem>>, vector<1x16xf32>,
      %swap3A_172 = vector.shape_cast %swap3A_171 : vector<1x16xf32> to vector<16xf32>
      %swap3A_173 = vector.shape_cast %add3A_168 : vector<16xf32> to vector<1x16xf32>
      tpu.vector_store %arg8[%swap3A_169, %swap3A_170], %swap3A_173 {strides = array<i32>} : memref<64x768xf32, #tpu.memory_space<vmem>>, vector<1x16xf32>,
      %get3A_174 = arith.index_cast %scan3A_18 : i32 to index
      %get3A_175 = arith.constant 128 : index
      %get3A_176 = tpu.vector_load %arg8[%get3A_174, %get3A_175] {strides = array<i32>} : memref<64x768xf32, #tpu.memory_space<vmem>>, vector<1x16xf32>,
      %get3A_177 = vector.shape_cast %get3A_176 : vector<1x16xf32> to vector<16xf32>
      %mul3A_178 = arith.mulf %gather3A_40, %get3A_177 : vector<16xf32>
      %get3A_179 = arith.index_cast %scan3A_18 : i32 to index
      %get3A_180 = arith.constant 128 : index
      %get3A_181 = tpu.vector_load %arg9[%get3A_179, %get3A_180] {strides = array<i32>} : memref<64x768xf32, #tpu.memory_space<vmem>>, vector<1x16xf32>,
      %get3A_182 = vector.shape_cast %get3A_181 : vector<1x16xf32> to vector<16xf32>
      %mul3A_183 = arith.mulf %gather3A_46, %get3A_182 : vector<16xf32>
      %add3A_184 = arith.addf %mul3A_178, %mul3A_183 : vector<16xf32>
      %swap3A_185 = arith.index_cast %scan3A_18 : i32 to index
      %swap3A_186 = arith.constant 128 : index
      %swap3A_187 = tpu.vector_load %arg8[%swap3A_185, %swap3A_186] {strides = array<i32>} : memref<64x768xf32, #tpu.memory_space<vmem>>, vector<1x16xf32>,
      %swap3A_188 = vector.shape_cast %swap3A_187 : vector<1x16xf32> to vector<16xf32>
      %swap3A_189 = vector.shape_cast %add3A_184 : vector<16xf32> to vector<1x16xf32>
      tpu.vector_store %arg8[%swap3A_185, %swap3A_186], %swap3A_189 {strides = array<i32>} : memref<64x768xf32, #tpu.memory_space<vmem>>, vector<1x16xf32>,
      %get3A_190 = arith.index_cast %scan3A_18 : i32 to index
      %get3A_191 = arith.constant 144 : index
      %get3A_192 = tpu.vector_load %arg8[%get3A_190, %get3A_191] {strides = array<i32>} : memref<64x768xf32, #tpu.memory_space<vmem>>, vector<1x16xf32>,
      %get3A_193 = vector.shape_cast %get3A_192 : vector<1x16xf32> to vector<16xf32>
      %mul3A_194 = arith.mulf %gather3A_40, %get3A_193 : vector<16xf32>
      %get3A_195 = arith.index_cast %scan3A_18 : i32 to index
      %get3A_196 = arith.constant 144 : index
      %get3A_197 = tpu.vector_load %arg9[%get3A_195, %get3A_196] {strides = array<i32>} : memref<64x768xf32, #tpu.memory_space<vmem>>, vector<1x16xf32>,
      %get3A_198 = vector.shape_cast %get3A_197 : vector<1x16xf32> to vector<16xf32>
      %mul3A_199 = arith.mulf %gather3A_46, %get3A_198 : vector<16xf32>
      %add3A_200 = arith.addf %mul3A_194, %mul3A_199 : vector<16xf32>
      %swap3A_201 = arith.index_cast %scan3A_18 : i32 to index
      %swap3A_202 = arith.constant 144 : index
      %swap3A_203 = tpu.vector_load %arg8[%swap3A_201, %swap3A_202] {strides = array<i32>} : memref<64x768xf32, #tpu.memory_space<vmem>>, vector<1x16xf32>,
      %swap3A_204 = vector.shape_cast %swap3A_203 : vector<1x16xf32> to vector<16xf32>
      %swap3A_205 = vector.shape_cast %add3A_200 : vector<16xf32> to vector<1x16xf32>
      tpu.vector_store %arg8[%swap3A_201, %swap3A_202], %swap3A_205 {strides = array<i32>} : memref<64x768xf32, #tpu.memory_space<vmem>>, vector<1x16xf32>,
      %get3A_206 = arith.index_cast %scan3A_18 : i32 to index
      %get3A_207 = arith.constant 160 : index
      %get3A_208 = tpu.vector_load %arg8[%get3A_206, %get3A_207] {strides = array<i32>} : memref<64x768xf32, #tpu.memory_space<vmem>>, vector<1x16xf32>,
      %get3A_209 = vector.shape_cast %get3A_208 : vector<1x16xf32> to vector<16xf32>
      %mul3A_210 = arith.mulf %gather3A_40, %get3A_209 : vector<16xf32>
      %get3A_211 = arith.index_cast %scan3A_18 : i32 to index
      %get3A_212 = arith.constant 160 : index
      %get3A_213 = tpu.vector_load %arg9[%get3A_211, %get3A_212] {strides = array<i32>} : memref<64x768xf32, #tpu.memory_space<vmem>>, vector<1x16xf32>,
      %get3A_214 = vector.shape_cast %get3A_213 : vector<1x16xf32> to vector<16xf32>
      %mul3A_215 = arith.mulf %gather3A_46, %get3A_214 : vector<16xf32>
      %add3A_216 = arith.addf %mul3A_210, %mul3A_215 : vector<16xf32>
      %swap3A_217 = arith.index_cast %scan3A_18 : i32 to index
      %swap3A_218 = arith.constant 160 : index
      %swap3A_219 = tpu.vector_load %arg8[%swap3A_217, %swap3A_218] {strides = array<i32>} : memref<64x768xf32, #tpu.memory_space<vmem>>, vector<1x16xf32>,
      %swap3A_220 = vector.shape_cast %swap3A_219 : vector<1x16xf32> to vector<16xf32>
      %swap3A_221 = vector.shape_cast %add3A_216 : vector<16xf32> to vector<1x16xf32>
      tpu.vector_store %arg8[%swap3A_217, %swap3A_218], %swap3A_221 {strides = array<i32>} : memref<64x768xf32, #tpu.memory_space<vmem>>, vector<1x16xf32>,
      %get3A_222 = arith.index_cast %scan3A_18 : i32 to index
      %get3A_223 = arith.constant 176 : index
      %get3A_224 = tpu.vector_load %arg8[%get3A_222, %get3A_223] {strides = array<i32>} : memref<64x768xf32, #tpu.memory_space<vmem>>, vector<1x16xf32>,
      %get3A_225 = vector.shape_cast %get3A_224 : vector<1x16xf32> to vector<16xf32>
      %mul3A_226 = arith.mulf %gather3A_40, %get3A_225 : vector<16xf32>
      %get3A_227 = arith.index_cast %scan3A_18 : i32 to index
      %get3A_228 = arith.constant 176 : index
      %get3A_229 = tpu.vector_load %arg9[%get3A_227, %get3A_228] {strides = array<i32>} : memref<64x768xf32, #tpu.memory_space<vmem>>, vector<1x16xf32>,
      %get3A_230 = vector.shape_cast %get3A_229 : vector<1x16xf32> to vector<16xf32>
      %mul3A_231 = arith.mulf %gather3A_46, %get3A_230 : vector<16xf32>
      %add3A_232 = arith.addf %mul3A_226, %mul3A_231 : vector<16xf32>
      %swap3A_233 = arith.index_cast %scan3A_18 : i32 to index
      %swap3A_234 = arith.constant 176 : index
      %swap3A_235 = tpu.vector_load %arg8[%swap3A_233, %swap3A_234] {strides = array<i32>} : memref<64x768xf32, #tpu.memory_space<vmem>>, vector<1x16xf32>,
      %swap3A_236 = vector.shape_cast %swap3A_235 : vector<1x16xf32> to vector<16xf32>
      %swap3A_237 = vector.shape_cast %add3A_232 : vector<16xf32> to vector<1x16xf32>
      tpu.vector_store %arg8[%swap3A_233, %swap3A_234], %swap3A_237 {strides = array<i32>} : memref<64x768xf32, #tpu.memory_space<vmem>>, vector<1x16xf32>,
      %get3A_238 = arith.index_cast %scan3A_18 : i32 to index
      %get3A_239 = arith.constant 192 : index
      %get3A_240 = tpu.vector_load %arg8[%get3A_238, %get3A_239] {strides = array<i32>} : memref<64x768xf32, #tpu.memory_space<vmem>>, vector<1x16xf32>,
      %get3A_241 = vector.shape_cast %get3A_240 : vector<1x16xf32> to vector<16xf32>
      %mul3A_242 = arith.mulf %gather3A_40, %get3A_241 : vector<16xf32>
      %get3A_243 = arith.index_cast %scan3A_18 : i32 to index
      %get3A_244 = arith.constant 192 : index
      %get3A_245 = tpu.vector_load %arg9[%get3A_243, %get3A_244] {strides = array<i32>} : memref<64x768xf32, #tpu.memory_space<vmem>>, vector<1x16xf32>,
      %get3A_246 = vector.shape_cast %get3A_245 : vector<1x16xf32> to vector<16xf32>
      %mul3A_247 = arith.mulf %gather3A_46, %get3A_246 : vector<16xf32>
      %add3A_248 = arith.addf %mul3A_242, %mul3A_247 : vector<16xf32>
      %swap3A_249 = arith.index_cast %scan3A_18 : i32 to index
      %swap3A_250 = arith.constant 192 : index
      %swap3A_251 = tpu.vector_load %arg8[%swap3A_249, %swap3A_250] {strides = array<i32>} : memref<64x768xf32, #tpu.memory_space<vmem>>, vector<1x16xf32>,
      %swap3A_252 = vector.shape_cast %swap3A_251 : vector<1x16xf32> to vector<16xf32>
      %swap3A_253 = vector.shape_cast %add3A_248 : vector<16xf32> to vector<1x16xf32>
      tpu.vector_store %arg8[%swap3A_249, %swap3A_250], %swap3A_253 {strides = array<i32>} : memref<64x768xf32, #tpu.memory_space<vmem>>, vector<1x16xf32>,
      %get3A_254 = arith.index_cast %scan3A_18 : i32 to index
      %get3A_255 = arith.constant 208 : index
      %get3A_256 = tpu.vector_load %arg8[%get3A_254, %get3A_255] {strides = array<i32>} : memref<64x768xf32, #tpu.memory_space<vmem>>, vector<1x16xf32>,
      %get3A_257 = vector.shape_cast %get3A_256 : vector<1x16xf32> to vector<16xf32>
      %mul3A_258 = arith.mulf %gather3A_40, %get3A_257 : vector<16xf32>
      %get3A_259 = arith.index_cast %scan3A_18 : i32 to index
      %get3A_260 = arith.constant 208 : index
      %get3A_261 = tpu.vector_load %arg9[%get3A_259, %get3A_260] {strides = array<i32>} : memref<64x768xf32, #tpu.memory_space<vmem>>, vector<1x16xf32>,
      %get3A_262 = vector.shape_cast %get3A_261 : vector<1x16xf32> to vector<16xf32>
      %mul3A_263 = arith.mulf %gather3A_46, %get3A_262 : vector<16xf32>
      %add3A_264 = arith.addf %mul3A_258, %mul3A_263 : vector<16xf32>
      %swap3A_265 = arith.index_cast %scan3A_18 : i32 to index
      %swap3A_266 = arith.constant 208 : index
      %swap3A_267 = tpu.vector_load %arg8[%swap3A_265, %swap3A_266] {strides = array<i32>} : memref<64x768xf32, #tpu.memory_space<vmem>>, vector<1x16xf32>,
      %swap3A_268 = vector.shape_cast %swap3A_267 : vector<1x16xf32> to vector<16xf32>
      %swap3A_269 = vector.shape_cast %add3A_264 : vector<16xf32> to vector<1x16xf32>
      tpu.vector_store %arg8[%swap3A_265, %swap3A_266], %swap3A_269 {strides = array<i32>} : memref<64x768xf32, #tpu.memory_space<vmem>>, vector<1x16xf32>,
      %get3A_270 = arith.index_cast %scan3A_18 : i32 to index
      %get3A_271 = arith.constant 224 : index
      %get3A_272 = tpu.vector_load %arg8[%get3A_270, %get3A_271] {strides = array<i32>} : memref<64x768xf32, #tpu.memory_space<vmem>>, vector<1x16xf32>,
      %get3A_273 = vector.shape_cast %get3A_272 : vector<1x16xf32> to vector<16xf32>
      %mul3A_274 = arith.mulf %gather3A_40, %get3A_273 : vector<16xf32>
      %get3A_275 = arith.index_cast %scan3A_18 : i32 to index
      %get3A_276 = arith.constant 224 : index
      %get3A_277 = tpu.vector_load %arg9[%get3A_275, %get3A_276] {strides = array<i32>} : memref<64x768xf32, #tpu.memory_space<vmem>>, vector<1x16xf32>,
      %get3A_278 = vector.shape_cast %get3A_277 : vector<1x16xf32> to vector<16xf32>
      %mul3A_279 = arith.mulf %gather3A_46, %get3A_278 : vector<16xf32>
      %add3A_280 = arith.addf %mul3A_274, %mul3A_279 : vector<16xf32>
      %swap3A_281 = arith.index_cast %scan3A_18 : i32 to index
      %swap3A_282 = arith.constant 224 : index
      %swap3A_283 = tpu.vector_load %arg8[%swap3A_281, %swap3A_282] {strides = array<i32>} : memref<64x768xf32, #tpu.memory_space<vmem>>, vector<1x16xf32>,
      %swap3A_284 = vector.shape_cast %swap3A_283 : vector<1x16xf32> to vector<16xf32>
      %swap3A_285 = vector.shape_cast %add3A_280 : vector<16xf32> to vector<1x16xf32>
      tpu.vector_store %arg8[%swap3A_281, %swap3A_282], %swap3A_285 {strides = array<i32>} : memref<64x768xf32, #tpu.memory_space<vmem>>, vector<1x16xf32>,
      %get3A_286 = arith.index_cast %scan3A_18 : i32 to index
      %get3A_287 = arith.constant 240 : index
      %get3A_288 = tpu.vector_load %arg8[%get3A_286, %get3A_287] {strides = array<i32>} : memref<64x768xf32, #tpu.memory_space<vmem>>, vector<1x16xf32>,
      %get3A_289 = vector.shape_cast %get3A_288 : vector<1x16xf32> to vector<16xf32>
      %mul3A_290 = arith.mulf %gather3A_40, %get3A_289 : vector<16xf32>
      %get3A_291 = arith.index_cast %scan3A_18 : i32 to index
      %get3A_292 = arith.constant 240 : index
      %get3A_293 = tpu.vector_load %arg9[%get3A_291, %get3A_292] {strides = array<i32>} : memref<64x768xf32, #tpu.memory_space<vmem>>, vector<1x16xf32>,
      %get3A_294 = vector.shape_cast %get3A_293 : vector<1x16xf32> to vector<16xf32>
      %mul3A_295 = arith.mulf %gather3A_46, %get3A_294 : vector<16xf32>
      %add3A_296 = arith.addf %mul3A_290, %mul3A_295 : vector<16xf32>
      %swap3A_297 = arith.index_cast %scan3A_18 : i32 to index
      %swap3A_298 = arith.constant 240 : index
      %swap3A_299 = tpu.vector_load %arg8[%swap3A_297, %swap3A_298] {strides = array<i32>} : memref<64x768xf32, #tpu.memory_space<vmem>>, vector<1x16xf32>,
      %swap3A_300 = vector.shape_cast %swap3A_299 : vector<1x16xf32> to vector<16xf32>
      %swap3A_301 = vector.shape_cast %add3A_296 : vector<16xf32> to vector<1x16xf32>
      tpu.vector_store %arg8[%swap3A_297, %swap3A_298], %swap3A_301 {strides = array<i32>} : memref<64x768xf32, #tpu.memory_space<vmem>>, vector<1x16xf32>,
      %get3A_302 = arith.index_cast %scan3A_18 : i32 to index
      %get3A_303 = arith.constant 256 : index
      %get3A_304 = tpu.vector_load %arg8[%get3A_302, %get3A_303] {strides = array<i32>} : memref<64x768xf32, #tpu.memory_space<vmem>>, vector<1x16xf32>,
      %get3A_305 = vector.shape_cast %get3A_304 : vector<1x16xf32> to vector<16xf32>
      %mul3A_306 = arith.mulf %gather3A_40, %get3A_305 : vector<16xf32>
      %get3A_307 = arith.index_cast %scan3A_18 : i32 to index
      %get3A_308 = arith.constant 256 : index
      %get3A_309 = tpu.vector_load %arg9[%get3A_307, %get3A_308] {strides = array<i32>} : memref<64x768xf32, #tpu.memory_space<vmem>>, vector<1x16xf32>,
      %get3A_310 = vector.shape_cast %get3A_309 : vector<1x16xf32> to vector<16xf32>
      %mul3A_311 = arith.mulf %gather3A_46, %get3A_310 : vector<16xf32>
      %add3A_312 = arith.addf %mul3A_306, %mul3A_311 : vector<16xf32>
      %swap3A_313 = arith.index_cast %scan3A_18 : i32 to index
      %swap3A_314 = arith.constant 256 : index
      %swap3A_315 = tpu.vector_load %arg8[%swap3A_313, %swap3A_314] {strides = array<i32>} : memref<64x768xf32, #tpu.memory_space<vmem>>, vector<1x16xf32>,
      %swap3A_316 = vector.shape_cast %swap3A_315 : vector<1x16xf32> to vector<16xf32>
      %swap3A_317 = vector.shape_cast %add3A_312 : vector<16xf32> to vector<1x16xf32>
      tpu.vector_store %arg8[%swap3A_313, %swap3A_314], %swap3A_317 {strides = array<i32>} : memref<64x768xf32, #tpu.memory_space<vmem>>, vector<1x16xf32>,
      %get3A_318 = arith.index_cast %scan3A_18 : i32 to index
      %get3A_319 = arith.constant 272 : index
      %get3A_320 = tpu.vector_load %arg8[%get3A_318, %get3A_319] {strides = array<i32>} : memref<64x768xf32, #tpu.memory_space<vmem>>, vector<1x16xf32>,
      %get3A_321 = vector.shape_cast %get3A_320 : vector<1x16xf32> to vector<16xf32>
      %mul3A_322 = arith.mulf %gather3A_40, %get3A_321 : vector<16xf32>
      %get3A_323 = arith.index_cast %scan3A_18 : i32 to index
      %get3A_324 = arith.constant 272 : index
      %get3A_325 = tpu.vector_load %arg9[%get3A_323, %get3A_324] {strides = array<i32>} : memref<64x768xf32, #tpu.memory_space<vmem>>, vector<1x16xf32>,
      %get3A_326 = vector.shape_cast %get3A_325 : vector<1x16xf32> to vector<16xf32>
      %mul3A_327 = arith.mulf %gather3A_46, %get3A_326 : vector<16xf32>
      %add3A_328 = arith.addf %mul3A_322, %mul3A_327 : vector<16xf32>
      %swap3A_329 = arith.index_cast %scan3A_18 : i32 to index
      %swap3A_330 = arith.constant 272 : index
      %swap3A_331 = tpu.vector_load %arg8[%swap3A_329, %swap3A_330] {strides = array<i32>} : memref<64x768xf32, #tpu.memory_space<vmem>>, vector<1x16xf32>,
      %swap3A_332 = vector.shape_cast %swap3A_331 : vector<1x16xf32> to vector<16xf32>
      %swap3A_333 = vector.shape_cast %add3A_328 : vector<16xf32> to vector<1x16xf32>
      tpu.vector_store %arg8[%swap3A_329, %swap3A_330], %swap3A_333 {strides = array<i32>} : memref<64x768xf32, #tpu.memory_space<vmem>>, vector<1x16xf32>,
      %get3A_334 = arith.index_cast %scan3A_18 : i32 to index
      %get3A_335 = arith.constant 288 : index
      %get3A_336 = tpu.vector_load %arg8[%get3A_334, %get3A_335] {strides = array<i32>} : memref<64x768xf32, #tpu.memory_space<vmem>>, vector<1x16xf32>,
      %get3A_337 = vector.shape_cast %get3A_336 : vector<1x16xf32> to vector<16xf32>
      %mul3A_338 = arith.mulf %gather3A_40, %get3A_337 : vector<16xf32>
      %get3A_339 = arith.index_cast %scan3A_18 : i32 to index
      %get3A_340 = arith.constant 288 : index
      %get3A_341 = tpu.vector_load %arg9[%get3A_339, %get3A_340] {strides = array<i32>} : memref<64x768xf32, #tpu.memory_space<vmem>>, vector<1x16xf32>,
      %get3A_342 = vector.shape_cast %get3A_341 : vector<1x16xf32> to vector<16xf32>
      %mul3A_343 = arith.mulf %gather3A_46, %get3A_342 : vector<16xf32>
      %add3A_344 = arith.addf %mul3A_338, %mul3A_343 : vector<16xf32>
      %swap3A_345 = arith.index_cast %scan3A_18 : i32 to index
      %swap3A_346 = arith.constant 288 : index
      %swap3A_347 = tpu.vector_load %arg8[%swap3A_345, %swap3A_346] {strides = array<i32>} : memref<64x768xf32, #tpu.memory_space<vmem>>, vector<1x16xf32>,
      %swap3A_348 = vector.shape_cast %swap3A_347 : vector<1x16xf32> to vector<16xf32>
      %swap3A_349 = vector.shape_cast %add3A_344 : vector<16xf32> to vector<1x16xf32>
      tpu.vector_store %arg8[%swap3A_345, %swap3A_346], %swap3A_349 {strides = array<i32>} : memref<64x768xf32, #tpu.memory_space<vmem>>, vector<1x16xf32>,
      %get3A_350 = arith.index_cast %scan3A_18 : i32 to index
      %get3A_351 = arith.constant 304 : index
      %get3A_352 = tpu.vector_load %arg8[%get3A_350, %get3A_351] {strides = array<i32>} : memref<64x768xf32, #tpu.memory_space<vmem>>, vector<1x16xf32>,
      %get3A_353 = vector.shape_cast %get3A_352 : vector<1x16xf32> to vector<16xf32>
      %mul3A_354 = arith.mulf %gather3A_40, %get3A_353 : vector<16xf32>
      %get3A_355 = arith.index_cast %scan3A_18 : i32 to index
      %get3A_356 = arith.constant 304 : index
      %get3A_357 = tpu.vector_load %arg9[%get3A_355, %get3A_356] {strides = array<i32>} : memref<64x768xf32, #tpu.memory_space<vmem>>, vector<1x16xf32>,
      %get3A_358 = vector.shape_cast %get3A_357 : vector<1x16xf32> to vector<16xf32>
      %mul3A_359 = arith.mulf %gather3A_46, %get3A_358 : vector<16xf32>
      %add3A_360 = arith.addf %mul3A_354, %mul3A_359 : vector<16xf32>
      %swap3A_361 = arith.index_cast %scan3A_18 : i32 to index
      %swap3A_362 = arith.constant 304 : index
      %swap3A_363 = tpu.vector_load %arg8[%swap3A_361, %swap3A_362] {strides = array<i32>} : memref<64x768xf32, #tpu.memory_space<vmem>>, vector<1x16xf32>,
      %swap3A_364 = vector.shape_cast %swap3A_363 : vector<1x16xf32> to vector<16xf32>
      %swap3A_365 = vector.shape_cast %add3A_360 : vector<16xf32> to vector<1x16xf32>
      tpu.vector_store %arg8[%swap3A_361, %swap3A_362], %swap3A_365 {strides = array<i32>} : memref<64x768xf32, #tpu.memory_space<vmem>>, vector<1x16xf32>,
      %get3A_366 = arith.index_cast %scan3A_18 : i32 to index
      %get3A_367 = arith.constant 320 : index
      %get3A_368 = tpu.vector_load %arg8[%get3A_366, %get3A_367] {strides = array<i32>} : memref<64x768xf32, #tpu.memory_space<vmem>>, vector<1x16xf32>,
      %get3A_369 = vector.shape_cast %get3A_368 : vector<1x16xf32> to vector<16xf32>
      %mul3A_370 = arith.mulf %gather3A_40, %get3A_369 : vector<16xf32>
      %get3A_371 = arith.index_cast %scan3A_18 : i32 to index
      %get3A_372 = arith.constant 320 : index
      %get3A_373 = tpu.vector_load %arg9[%get3A_371, %get3A_372] {strides = array<i32>} : memref<64x768xf32, #tpu.memory_space<vmem>>, vector<1x16xf32>,
      %get3A_374 = vector.shape_cast %get3A_373 : vector<1x16xf32> to vector<16xf32>
      %mul3A_375 = arith.mulf %gather3A_46, %get3A_374 : vector<16xf32>
      %add3A_376 = arith.addf %mul3A_370, %mul3A_375 : vector<16xf32>
      %swap3A_377 = arith.index_cast %scan3A_18 : i32 to index
      %swap3A_378 = arith.constant 320 : index
      %swap3A_379 = tpu.vector_load %arg8[%swap3A_377, %swap3A_378] {strides = array<i32>} : memref<64x768xf32, #tpu.memory_space<vmem>>, vector<1x16xf32>,
      %swap3A_380 = vector.shape_cast %swap3A_379 : vector<1x16xf32> to vector<16xf32>
      %swap3A_381 = vector.shape_cast %add3A_376 : vector<16xf32> to vector<1x16xf32>
      tpu.vector_store %arg8[%swap3A_377, %swap3A_378], %swap3A_381 {strides = array<i32>} : memref<64x768xf32, #tpu.memory_space<vmem>>, vector<1x16xf32>,
      %get3A_382 = arith.index_cast %scan3A_18 : i32 to index
      %get3A_383 = arith.constant 336 : index
      %get3A_384 = tpu.vector_load %arg8[%get3A_382, %get3A_383] {strides = array<i32>} : memref<64x768xf32, #tpu.memory_space<vmem>>, vector<1x16xf32>,
      %get3A_385 = vector.shape_cast %get3A_384 : vector<1x16xf32> to vector<16xf32>
      %mul3A_386 = arith.mulf %gather3A_40, %get3A_385 : vector<16xf32>
      %get3A_387 = arith.index_cast %scan3A_18 : i32 to index
      %get3A_388 = arith.constant 336 : index
      %get3A_389 = tpu.vector_load %arg9[%get3A_387, %get3A_388] {strides = array<i32>} : memref<64x768xf32, #tpu.memory_space<vmem>>, vector<1x16xf32>,
      %get3A_390 = vector.shape_cast %get3A_389 : vector<1x16xf32> to vector<16xf32>
      %mul3A_391 = arith.mulf %gather3A_46, %get3A_390 : vector<16xf32>
      %add3A_392 = arith.addf %mul3A_386, %mul3A_391 : vector<16xf32>
      %swap3A_393 = arith.index_cast %scan3A_18 : i32 to index
      %swap3A_394 = arith.constant 336 : index
      %swap3A_395 = tpu.vector_load %arg8[%swap3A_393, %swap3A_394] {strides = array<i32>} : memref<64x768xf32, #tpu.memory_space<vmem>>, vector<1x16xf32>,
      %swap3A_396 = vector.shape_cast %swap3A_395 : vector<1x16xf32> to vector<16xf32>
      %swap3A_397 = vector.shape_cast %add3A_392 : vector<16xf32> to vector<1x16xf32>
      tpu.vector_store %arg8[%swap3A_393, %swap3A_394], %swap3A_397 {strides = array<i32>} : memref<64x768xf32, #tpu.memory_space<vmem>>, vector<1x16xf32>,
      %get3A_398 = arith.index_cast %scan3A_18 : i32 to index
      %get3A_399 = arith.constant 352 : index
      %get3A_400 = tpu.vector_load %arg8[%get3A_398, %get3A_399] {strides = array<i32>} : memref<64x768xf32, #tpu.memory_space<vmem>>, vector<1x16xf32>,
      %get3A_401 = vector.shape_cast %get3A_400 : vector<1x16xf32> to vector<16xf32>
      %mul3A_402 = arith.mulf %gather3A_40, %get3A_401 : vector<16xf32>
      %get3A_403 = arith.index_cast %scan3A_18 : i32 to index
      %get3A_404 = arith.constant 352 : index
      %get3A_405 = tpu.vector_load %arg9[%get3A_403, %get3A_404] {strides = array<i32>} : memref<64x768xf32, #tpu.memory_space<vmem>>, vector<1x16xf32>,
      %get3A_406 = vector.shape_cast %get3A_405 : vector<1x16xf32> to vector<16xf32>
      %mul3A_407 = arith.mulf %gather3A_46, %get3A_406 : vector<16xf32>
      %add3A_408 = arith.addf %mul3A_402, %mul3A_407 : vector<16xf32>
      %swap3A_409 = arith.index_cast %scan3A_18 : i32 to index
      %swap3A_410 = arith.constant 352 : index
      %swap3A_411 = tpu.vector_load %arg8[%swap3A_409, %swap3A_410] {strides = array<i32>} : memref<64x768xf32, #tpu.memory_space<vmem>>, vector<1x16xf32>,
      %swap3A_412 = vector.shape_cast %swap3A_411 : vector<1x16xf32> to vector<16xf32>
      %swap3A_413 = vector.shape_cast %add3A_408 : vector<16xf32> to vector<1x16xf32>
      tpu.vector_store %arg8[%swap3A_409, %swap3A_410], %swap3A_413 {strides = array<i32>} : memref<64x768xf32, #tpu.memory_space<vmem>>, vector<1x16xf32>,
      %get3A_414 = arith.index_cast %scan3A_18 : i32 to index
      %get3A_415 = arith.constant 368 : index
      %get3A_416 = tpu.vector_load %arg8[%get3A_414, %get3A_415] {strides = array<i32>} : memref<64x768xf32, #tpu.memory_space<vmem>>, vector<1x16xf32>,
      %get3A_417 = vector.shape_cast %get3A_416 : vector<1x16xf32> to vector<16xf32>
      %mul3A_418 = arith.mulf %gather3A_40, %get3A_417 : vector<16xf32>
      %get3A_419 = arith.index_cast %scan3A_18 : i32 to index
      %get3A_420 = arith.constant 368 : index
      %get3A_421 = tpu.vector_load %arg9[%get3A_419, %get3A_420] {strides = array<i32>} : memref<64x768xf32, #tpu.memory_space<vmem>>, vector<1x16xf32>,
      %get3A_422 = vector.shape_cast %get3A_421 : vector<1x16xf32> to vector<16xf32>
      %mul3A_423 = arith.mulf %gather3A_46, %get3A_422 : vector<16xf32>
      %add3A_424 = arith.addf %mul3A_418, %mul3A_423 : vector<16xf32>
      %swap3A_425 = arith.index_cast %scan3A_18 : i32 to index
      %swap3A_426 = arith.constant 368 : index
      %swap3A_427 = tpu.vector_load %arg8[%swap3A_425, %swap3A_426] {strides = array<i32>} : memref<64x768xf32, #tpu.memory_space<vmem>>, vector<1x16xf32>,
      %swap3A_428 = vector.shape_cast %swap3A_427 : vector<1x16xf32> to vector<16xf32>
      %swap3A_429 = vector.shape_cast %add3A_424 : vector<16xf32> to vector<1x16xf32>
      tpu.vector_store %arg8[%swap3A_425, %swap3A_426], %swap3A_429 {strides = array<i32>} : memref<64x768xf32, #tpu.memory_space<vmem>>, vector<1x16xf32>,
      %get3A_430 = arith.index_cast %scan3A_18 : i32 to index
      %get3A_431 = arith.constant 384 : index
      %get3A_432 = tpu.vector_load %arg8[%get3A_430, %get3A_431] {strides = array<i32>} : memref<64x768xf32, #tpu.memory_space<vmem>>, vector<1x16xf32>,
      %get3A_433 = vector.shape_cast %get3A_432 : vector<1x16xf32> to vector<16xf32>
      %mul3A_434 = arith.mulf %gather3A_40, %get3A_433 : vector<16xf32>
      %get3A_435 = arith.index_cast %scan3A_18 : i32 to index
      %get3A_436 = arith.constant 384 : index
      %get3A_437 = tpu.vector_load %arg9[%get3A_435, %get3A_436] {strides = array<i32>} : memref<64x768xf32, #tpu.memory_space<vmem>>, vector<1x16xf32>,
      %get3A_438 = vector.shape_cast %get3A_437 : vector<1x16xf32> to vector<16xf32>
      %mul3A_439 = arith.mulf %gather3A_46, %get3A_438 : vector<16xf32>
      %add3A_440 = arith.addf %mul3A_434, %mul3A_439 : vector<16xf32>
      %swap3A_441 = arith.index_cast %scan3A_18 : i32 to index
      %swap3A_442 = arith.constant 384 : index
      %swap3A_443 = tpu.vector_load %arg8[%swap3A_441, %swap3A_442] {strides = array<i32>} : memref<64x768xf32, #tpu.memory_space<vmem>>, vector<1x16xf32>,
      %swap3A_444 = vector.shape_cast %swap3A_443 : vector<1x16xf32> to vector<16xf32>
      %swap3A_445 = vector.shape_cast %add3A_440 : vector<16xf32> to vector<1x16xf32>
      tpu.vector_store %arg8[%swap3A_441, %swap3A_442], %swap3A_445 {strides = array<i32>} : memref<64x768xf32, #tpu.memory_space<vmem>>, vector<1x16xf32>,
      %get3A_446 = arith.index_cast %scan3A_18 : i32 to index
      %get3A_447 = arith.constant 400 : index
      %get3A_448 = tpu.vector_load %arg8[%get3A_446, %get3A_447] {strides = array<i32>} : memref<64x768xf32, #tpu.memory_space<vmem>>, vector<1x16xf32>,
      %get3A_449 = vector.shape_cast %get3A_448 : vector<1x16xf32> to vector<16xf32>
      %mul3A_450 = arith.mulf %gather3A_40, %get3A_449 : vector<16xf32>
      %get3A_451 = arith.index_cast %scan3A_18 : i32 to index
      %get3A_452 = arith.constant 400 : index
      %get3A_453 = tpu.vector_load %arg9[%get3A_451, %get3A_452] {strides = array<i32>} : memref<64x768xf32, #tpu.memory_space<vmem>>, vector<1x16xf32>,
      %get3A_454 = vector.shape_cast %get3A_453 : vector<1x16xf32> to vector<16xf32>
      %mul3A_455 = arith.mulf %gather3A_46, %get3A_454 : vector<16xf32>
      %add3A_456 = arith.addf %mul3A_450, %mul3A_455 : vector<16xf32>
      %swap3A_457 = arith.index_cast %scan3A_18 : i32 to index
      %swap3A_458 = arith.constant 400 : index
      %swap3A_459 = tpu.vector_load %arg8[%swap3A_457, %swap3A_458] {strides = array<i32>} : memref<64x768xf32, #tpu.memory_space<vmem>>, vector<1x16xf32>,
      %swap3A_460 = vector.shape_cast %swap3A_459 : vector<1x16xf32> to vector<16xf32>
      %swap3A_461 = vector.shape_cast %add3A_456 : vector<16xf32> to vector<1x16xf32>
      tpu.vector_store %arg8[%swap3A_457, %swap3A_458], %swap3A_461 {strides = array<i32>} : memref<64x768xf32, #tpu.memory_space<vmem>>, vector<1x16xf32>,
      %get3A_462 = arith.index_cast %scan3A_18 : i32 to index
      %get3A_463 = arith.constant 416 : index
      %get3A_464 = tpu.vector_load %arg8[%get3A_462, %get3A_463] {strides = array<i32>} : memref<64x768xf32, #tpu.memory_space<vmem>>, vector<1x16xf32>,
      %get3A_465 = vector.shape_cast %get3A_464 : vector<1x16xf32> to vector<16xf32>
      %mul3A_466 = arith.mulf %gather3A_40, %get3A_465 : vector<16xf32>
      %get3A_467 = arith.index_cast %scan3A_18 : i32 to index
      %get3A_468 = arith.constant 416 : index
      %get3A_469 = tpu.vector_load %arg9[%get3A_467, %get3A_468] {strides = array<i32>} : memref<64x768xf32, #tpu.memory_space<vmem>>, vector<1x16xf32>,
      %get3A_470 = vector.shape_cast %get3A_469 : vector<1x16xf32> to vector<16xf32>
      %mul3A_471 = arith.mulf %gather3A_46, %get3A_470 : vector<16xf32>
      %add3A_472 = arith.addf %mul3A_466, %mul3A_471 : vector<16xf32>
      %swap3A_473 = arith.index_cast %scan3A_18 : i32 to index
      %swap3A_474 = arith.constant 416 : index
      %swap3A_475 = tpu.vector_load %arg8[%swap3A_473, %swap3A_474] {strides = array<i32>} : memref<64x768xf32, #tpu.memory_space<vmem>>, vector<1x16xf32>,
      %swap3A_476 = vector.shape_cast %swap3A_475 : vector<1x16xf32> to vector<16xf32>
      %swap3A_477 = vector.shape_cast %add3A_472 : vector<16xf32> to vector<1x16xf32>
      tpu.vector_store %arg8[%swap3A_473, %swap3A_474], %swap3A_477 {strides = array<i32>} : memref<64x768xf32, #tpu.memory_space<vmem>>, vector<1x16xf32>,
      %get3A_478 = arith.index_cast %scan3A_18 : i32 to index
      %get3A_479 = arith.constant 432 : index
      %get3A_480 = tpu.vector_load %arg8[%get3A_478, %get3A_479] {strides = array<i32>} : memref<64x768xf32, #tpu.memory_space<vmem>>, vector<1x16xf32>,
      %get3A_481 = vector.shape_cast %get3A_480 : vector<1x16xf32> to vector<16xf32>
      %mul3A_482 = arith.mulf %gather3A_40, %get3A_481 : vector<16xf32>
      %get3A_483 = arith.index_cast %scan3A_18 : i32 to index
      %get3A_484 = arith.constant 432 : index
      %get3A_485 = tpu.vector_load %arg9[%get3A_483, %get3A_484] {strides = array<i32>} : memref<64x768xf32, #tpu.memory_space<vmem>>, vector<1x16xf32>,
      %get3A_486 = vector.shape_cast %get3A_485 : vector<1x16xf32> to vector<16xf32>
      %mul3A_487 = arith.mulf %gather3A_46, %get3A_486 : vector<16xf32>
      %add3A_488 = arith.addf %mul3A_482, %mul3A_487 : vector<16xf32>
      %swap3A_489 = arith.index_cast %scan3A_18 : i32 to index
      %swap3A_490 = arith.constant 432 : index
      %swap3A_491 = tpu.vector_load %arg8[%swap3A_489, %swap3A_490] {strides = array<i32>} : memref<64x768xf32, #tpu.memory_space<vmem>>, vector<1x16xf32>,
      %swap3A_492 = vector.shape_cast %swap3A_491 : vector<1x16xf32> to vector<16xf32>
      %swap3A_493 = vector.shape_cast %add3A_488 : vector<16xf32> to vector<1x16xf32>
      tpu.vector_store %arg8[%swap3A_489, %swap3A_490], %swap3A_493 {strides = array<i32>} : memref<64x768xf32, #tpu.memory_space<vmem>>, vector<1x16xf32>,
      %get3A_494 = arith.index_cast %scan3A_18 : i32 to index
      %get3A_495 = arith.constant 448 : index
      %get3A_496 = tpu.vector_load %arg8[%get3A_494, %get3A_495] {strides = array<i32>} : memref<64x768xf32, #tpu.memory_space<vmem>>, vector<1x16xf32>,
      %get3A_497 = vector.shape_cast %get3A_496 : vector<1x16xf32> to vector<16xf32>
      %mul3A_498 = arith.mulf %gather3A_40, %get3A_497 : vector<16xf32>
      %get3A_499 = arith.index_cast %scan3A_18 : i32 to index
      %get3A_500 = arith.constant 448 : index
      %get3A_501 = tpu.vector_load %arg9[%get3A_499, %get3A_500] {strides = array<i32>} : memref<64x768xf32, #tpu.memory_space<vmem>>, vector<1x16xf32>,
      %get3A_502 = vector.shape_cast %get3A_501 : vector<1x16xf32> to vector<16xf32>
      %mul3A_503 = arith.mulf %gather3A_46, %get3A_502 : vector<16xf32>
      %add3A_504 = arith.addf %mul3A_498, %mul3A_503 : vector<16xf32>
      %swap3A_505 = arith.index_cast %scan3A_18 : i32 to index
      %swap3A_506 = arith.constant 448 : index
      %swap3A_507 = tpu.vector_load %arg8[%swap3A_505, %swap3A_506] {strides = array<i32>} : memref<64x768xf32, #tpu.memory_space<vmem>>, vector<1x16xf32>,
      %swap3A_508 = vector.shape_cast %swap3A_507 : vector<1x16xf32> to vector<16xf32>
      %swap3A_509 = vector.shape_cast %add3A_504 : vector<16xf32> to vector<1x16xf32>
      tpu.vector_store %arg8[%swap3A_505, %swap3A_506], %swap3A_509 {strides = array<i32>} : memref<64x768xf32, #tpu.memory_space<vmem>>, vector<1x16xf32>,
      %get3A_510 = arith.index_cast %scan3A_18 : i32 to index
      %get3A_511 = arith.constant 464 : index
      %get3A_512 = tpu.vector_load %arg8[%get3A_510, %get3A_511] {strides = array<i32>} : memref<64x768xf32, #tpu.memory_space<vmem>>, vector<1x16xf32>,
      %get3A_513 = vector.shape_cast %get3A_512 : vector<1x16xf32> to vector<16xf32>
      %mul3A_514 = arith.mulf %gather3A_40, %get3A_513 : vector<16xf32>
      %get3A_515 = arith.index_cast %scan3A_18 : i32 to index
      %get3A_516 = arith.constant 464 : index
      %get3A_517 = tpu.vector_load %arg9[%get3A_515, %get3A_516] {strides = array<i32>} : memref<64x768xf32, #tpu.memory_space<vmem>>, vector<1x16xf32>,
      %get3A_518 = vector.shape_cast %get3A_517 : vector<1x16xf32> to vector<16xf32>
      %mul3A_519 = arith.mulf %gather3A_46, %get3A_518 : vector<16xf32>
      %add3A_520 = arith.addf %mul3A_514, %mul3A_519 : vector<16xf32>
      %swap3A_521 = arith.index_cast %scan3A_18 : i32 to index
      %swap3A_522 = arith.constant 464 : index
      %swap3A_523 = tpu.vector_load %arg8[%swap3A_521, %swap3A_522] {strides = array<i32>} : memref<64x768xf32, #tpu.memory_space<vmem>>, vector<1x16xf32>,
      %swap3A_524 = vector.shape_cast %swap3A_523 : vector<1x16xf32> to vector<16xf32>
      %swap3A_525 = vector.shape_cast %add3A_520 : vector<16xf32> to vector<1x16xf32>
      tpu.vector_store %arg8[%swap3A_521, %swap3A_522], %swap3A_525 {strides = array<i32>} : memref<64x768xf32, #tpu.memory_space<vmem>>, vector<1x16xf32>,
      %get3A_526 = arith.index_cast %scan3A_18 : i32 to index
      %get3A_527 = arith.constant 480 : index
      %get3A_528 = tpu.vector_load %arg8[%get3A_526, %get3A_527] {strides = array<i32>} : memref<64x768xf32, #tpu.memory_space<vmem>>, vector<1x16xf32>,
      %get3A_529 = vector.shape_cast %get3A_528 : vector<1x16xf32> to vector<16xf32>
      %mul3A_530 = arith.mulf %gather3A_40, %get3A_529 : vector<16xf32>
      %get3A_531 = arith.index_cast %scan3A_18 : i32 to index
      %get3A_532 = arith.constant 480 : index
      %get3A_533 = tpu.vector_load %arg9[%get3A_531, %get3A_532] {strides = array<i32>} : memref<64x768xf32, #tpu.memory_space<vmem>>, vector<1x16xf32>,
      %get3A_534 = vector.shape_cast %get3A_533 : vector<1x16xf32> to vector<16xf32>
      %mul3A_535 = arith.mulf %gather3A_46, %get3A_534 : vector<16xf32>
      %add3A_536 = arith.addf %mul3A_530, %mul3A_535 : vector<16xf32>
      %swap3A_537 = arith.index_cast %scan3A_18 : i32 to index
      %swap3A_538 = arith.constant 480 : index
      %swap3A_539 = tpu.vector_load %arg8[%swap3A_537, %swap3A_538] {strides = array<i32>} : memref<64x768xf32, #tpu.memory_space<vmem>>, vector<1x16xf32>,
      %swap3A_540 = vector.shape_cast %swap3A_539 : vector<1x16xf32> to vector<16xf32>
      %swap3A_541 = vector.shape_cast %add3A_536 : vector<16xf32> to vector<1x16xf32>
      tpu.vector_store %arg8[%swap3A_537, %swap3A_538], %swap3A_541 {strides = array<i32>} : memref<64x768xf32, #tpu.memory_space<vmem>>, vector<1x16xf32>,
      %get3A_542 = arith.index_cast %scan3A_18 : i32 to index
      %get3A_543 = arith.constant 496 : index
      %get3A_544 = tpu.vector_load %arg8[%get3A_542, %get3A_543] {strides = array<i32>} : memref<64x768xf32, #tpu.memory_space<vmem>>, vector<1x16xf32>,
      %get3A_545 = vector.shape_cast %get3A_544 : vector<1x16xf32> to vector<16xf32>
      %mul3A_546 = arith.mulf %gather3A_40, %get3A_545 : vector<16xf32>
      %get3A_547 = arith.index_cast %scan3A_18 : i32 to index
      %get3A_548 = arith.constant 496 : index
      %get3A_549 = tpu.vector_load %arg9[%get3A_547, %get3A_548] {strides = array<i32>} : memref<64x768xf32, #tpu.memory_space<vmem>>, vector<1x16xf32>,
      %get3A_550 = vector.shape_cast %get3A_549 : vector<1x16xf32> to vector<16xf32>
      %mul3A_551 = arith.mulf %gather3A_46, %get3A_550 : vector<16xf32>
      %add3A_552 = arith.addf %mul3A_546, %mul3A_551 : vector<16xf32>
      %swap3A_553 = arith.index_cast %scan3A_18 : i32 to index
      %swap3A_554 = arith.constant 496 : index
      %swap3A_555 = tpu.vector_load %arg8[%swap3A_553, %swap3A_554] {strides = array<i32>} : memref<64x768xf32, #tpu.memory_space<vmem>>, vector<1x16xf32>,
      %swap3A_556 = vector.shape_cast %swap3A_555 : vector<1x16xf32> to vector<16xf32>
      %swap3A_557 = vector.shape_cast %add3A_552 : vector<16xf32> to vector<1x16xf32>
      tpu.vector_store %arg8[%swap3A_553, %swap3A_554], %swap3A_557 {strides = array<i32>} : memref<64x768xf32, #tpu.memory_space<vmem>>, vector<1x16xf32>,
      %get3A_558 = arith.index_cast %scan3A_18 : i32 to index
      %get3A_559 = arith.constant 512 : index
      %get3A_560 = tpu.vector_load %arg8[%get3A_558, %get3A_559] {strides = array<i32>} : memref<64x768xf32, #tpu.memory_space<vmem>>, vector<1x16xf32>,
      %get3A_561 = vector.shape_cast %get3A_560 : vector<1x16xf32> to vector<16xf32>
      %mul3A_562 = arith.mulf %gather3A_40, %get3A_561 : vector<16xf32>
      %get3A_563 = arith.index_cast %scan3A_18 : i32 to index
      %get3A_564 = arith.constant 512 : index
      %get3A_565 = tpu.vector_load %arg9[%get3A_563, %get3A_564] {strides = array<i32>} : memref<64x768xf32, #tpu.memory_space<vmem>>, vector<1x16xf32>,
      %get3A_566 = vector.shape_cast %get3A_565 : vector<1x16xf32> to vector<16xf32>
      %mul3A_567 = arith.mulf %gather3A_46, %get3A_566 : vector<16xf32>
      %add3A_568 = arith.addf %mul3A_562, %mul3A_567 : vector<16xf32>
      %swap3A_569 = arith.index_cast %scan3A_18 : i32 to index
      %swap3A_570 = arith.constant 512 : index
      %swap3A_571 = tpu.vector_load %arg8[%swap3A_569, %swap3A_570] {strides = array<i32>} : memref<64x768xf32, #tpu.memory_space<vmem>>, vector<1x16xf32>,
      %swap3A_572 = vector.shape_cast %swap3A_571 : vector<1x16xf32> to vector<16xf32>
      %swap3A_573 = vector.shape_cast %add3A_568 : vector<16xf32> to vector<1x16xf32>
      tpu.vector_store %arg8[%swap3A_569, %swap3A_570], %swap3A_573 {strides = array<i32>} : memref<64x768xf32, #tpu.memory_space<vmem>>, vector<1x16xf32>,
      %get3A_574 = arith.index_cast %scan3A_18 : i32 to index
      %get3A_575 = arith.constant 528 : index
      %get3A_576 = tpu.vector_load %arg8[%get3A_574, %get3A_575] {strides = array<i32>} : memref<64x768xf32, #tpu.memory_space<vmem>>, vector<1x16xf32>,
      %get3A_577 = vector.shape_cast %get3A_576 : vector<1x16xf32> to vector<16xf32>
      %mul3A_578 = arith.mulf %gather3A_40, %get3A_577 : vector<16xf32>
      %get3A_579 = arith.index_cast %scan3A_18 : i32 to index
      %get3A_580 = arith.constant 528 : index
      %get3A_581 = tpu.vector_load %arg9[%get3A_579, %get3A_580] {strides = array<i32>} : memref<64x768xf32, #tpu.memory_space<vmem>>, vector<1x16xf32>,
      %get3A_582 = vector.shape_cast %get3A_581 : vector<1x16xf32> to vector<16xf32>
      %mul3A_583 = arith.mulf %gather3A_46, %get3A_582 : vector<16xf32>
      %add3A_584 = arith.addf %mul3A_578, %mul3A_583 : vector<16xf32>
      %swap3A_585 = arith.index_cast %scan3A_18 : i32 to index
      %swap3A_586 = arith.constant 528 : index
      %swap3A_587 = tpu.vector_load %arg8[%swap3A_585, %swap3A_586] {strides = array<i32>} : memref<64x768xf32, #tpu.memory_space<vmem>>, vector<1x16xf32>,
      %swap3A_588 = vector.shape_cast %swap3A_587 : vector<1x16xf32> to vector<16xf32>
      %swap3A_589 = vector.shape_cast %add3A_584 : vector<16xf32> to vector<1x16xf32>
      tpu.vector_store %arg8[%swap3A_585, %swap3A_586], %swap3A_589 {strides = array<i32>} : memref<64x768xf32, #tpu.memory_space<vmem>>, vector<1x16xf32>,
      %get3A_590 = arith.index_cast %scan3A_18 : i32 to index
      %get3A_591 = arith.constant 544 : index
      %get3A_592 = tpu.vector_load %arg8[%get3A_590, %get3A_591] {strides = array<i32>} : memref<64x768xf32, #tpu.memory_space<vmem>>, vector<1x16xf32>,
      %get3A_593 = vector.shape_cast %get3A_592 : vector<1x16xf32> to vector<16xf32>
      %mul3A_594 = arith.mulf %gather3A_40, %get3A_593 : vector<16xf32>
      %get3A_595 = arith.index_cast %scan3A_18 : i32 to index
      %get3A_596 = arith.constant 544 : index
      %get3A_597 = tpu.vector_load %arg9[%get3A_595, %get3A_596] {strides = array<i32>} : memref<64x768xf32, #tpu.memory_space<vmem>>, vector<1x16xf32>,
      %get3A_598 = vector.shape_cast %get3A_597 : vector<1x16xf32> to vector<16xf32>
      %mul3A_599 = arith.mulf %gather3A_46, %get3A_598 : vector<16xf32>
      %add3A_600 = arith.addf %mul3A_594, %mul3A_599 : vector<16xf32>
      %swap3A_601 = arith.index_cast %scan3A_18 : i32 to index
      %swap3A_602 = arith.constant 544 : index
      %swap3A_603 = tpu.vector_load %arg8[%swap3A_601, %swap3A_602] {strides = array<i32>} : memref<64x768xf32, #tpu.memory_space<vmem>>, vector<1x16xf32>,
      %swap3A_604 = vector.shape_cast %swap3A_603 : vector<1x16xf32> to vector<16xf32>
      %swap3A_605 = vector.shape_cast %add3A_600 : vector<16xf32> to vector<1x16xf32>
      tpu.vector_store %arg8[%swap3A_601, %swap3A_602], %swap3A_605 {strides = array<i32>} : memref<64x768xf32, #tpu.memory_space<vmem>>, vector<1x16xf32>,
      %get3A_606 = arith.index_cast %scan3A_18 : i32 to index
      %get3A_607 = arith.constant 560 : index
      %get3A_608 = tpu.vector_load %arg8[%get3A_606, %get3A_607] {strides = array<i32>} : memref<64x768xf32, #tpu.memory_space<vmem>>, vector<1x16xf32>,
      %get3A_609 = vector.shape_cast %get3A_608 : vector<1x16xf32> to vector<16xf32>
      %mul3A_610 = arith.mulf %gather3A_40, %get3A_609 : vector<16xf32>
      %get3A_611 = arith.index_cast %scan3A_18 : i32 to index
      %get3A_612 = arith.constant 560 : index
      %get3A_613 = tpu.vector_load %arg9[%get3A_611, %get3A_612] {strides = array<i32>} : memref<64x768xf32, #tpu.memory_space<vmem>>, vector<1x16xf32>,
      %get3A_614 = vector.shape_cast %get3A_613 : vector<1x16xf32> to vector<16xf32>
      %mul3A_615 = arith.mulf %gather3A_46, %get3A_614 : vector<16xf32>
      %add3A_616 = arith.addf %mul3A_610, %mul3A_615 : vector<16xf32>
      %swap3A_617 = arith.index_cast %scan3A_18 : i32 to index
      %swap3A_618 = arith.constant 560 : index
      %swap3A_619 = tpu.vector_load %arg8[%swap3A_617, %swap3A_618] {strides = array<i32>} : memref<64x768xf32, #tpu.memory_space<vmem>>, vector<1x16xf32>,
      %swap3A_620 = vector.shape_cast %swap3A_619 : vector<1x16xf32> to vector<16xf32>
      %swap3A_621 = vector.shape_cast %add3A_616 : vector<16xf32> to vector<1x16xf32>
      tpu.vector_store %arg8[%swap3A_617, %swap3A_618], %swap3A_621 {strides = array<i32>} : memref<64x768xf32, #tpu.memory_space<vmem>>, vector<1x16xf32>,
      %get3A_622 = arith.index_cast %scan3A_18 : i32 to index
      %get3A_623 = arith.constant 576 : index
      %get3A_624 = tpu.vector_load %arg8[%get3A_622, %get3A_623] {strides = array<i32>} : memref<64x768xf32, #tpu.memory_space<vmem>>, vector<1x16xf32>,
      %get3A_625 = vector.shape_cast %get3A_624 : vector<1x16xf32> to vector<16xf32>
      %mul3A_626 = arith.mulf %gather3A_40, %get3A_625 : vector<16xf32>
      %get3A_627 = arith.index_cast %scan3A_18 : i32 to index
      %get3A_628 = arith.constant 576 : index
      %get3A_629 = tpu.vector_load %arg9[%get3A_627, %get3A_628] {strides = array<i32>} : memref<64x768xf32, #tpu.memory_space<vmem>>, vector<1x16xf32>,
      %get3A_630 = vector.shape_cast %get3A_629 : vector<1x16xf32> to vector<16xf32>
      %mul3A_631 = arith.mulf %gather3A_46, %get3A_630 : vector<16xf32>
      %add3A_632 = arith.addf %mul3A_626, %mul3A_631 : vector<16xf32>
      %swap3A_633 = arith.index_cast %scan3A_18 : i32 to index
      %swap3A_634 = arith.constant 576 : index
      %swap3A_635 = tpu.vector_load %arg8[%swap3A_633, %swap3A_634] {strides = array<i32>} : memref<64x768xf32, #tpu.memory_space<vmem>>, vector<1x16xf32>,
      %swap3A_636 = vector.shape_cast %swap3A_635 : vector<1x16xf32> to vector<16xf32>
      %swap3A_637 = vector.shape_cast %add3A_632 : vector<16xf32> to vector<1x16xf32>
      tpu.vector_store %arg8[%swap3A_633, %swap3A_634], %swap3A_637 {strides = array<i32>} : memref<64x768xf32, #tpu.memory_space<vmem>>, vector<1x16xf32>,
      %get3A_638 = arith.index_cast %scan3A_18 : i32 to index
      %get3A_639 = arith.constant 592 : index
      %get3A_640 = tpu.vector_load %arg8[%get3A_638, %get3A_639] {strides = array<i32>} : memref<64x768xf32, #tpu.memory_space<vmem>>, vector<1x16xf32>,
      %get3A_641 = vector.shape_cast %get3A_640 : vector<1x16xf32> to vector<16xf32>
      %mul3A_642 = arith.mulf %gather3A_40, %get3A_641 : vector<16xf32>
      %get3A_643 = arith.index_cast %scan3A_18 : i32 to index
      %get3A_644 = arith.constant 592 : index
      %get3A_645 = tpu.vector_load %arg9[%get3A_643, %get3A_644] {strides = array<i32>} : memref<64x768xf32, #tpu.memory_space<vmem>>, vector<1x16xf32>,
      %get3A_646 = vector.shape_cast %get3A_645 : vector<1x16xf32> to vector<16xf32>
      %mul3A_647 = arith.mulf %gather3A_46, %get3A_646 : vector<16xf32>
      %add3A_648 = arith.addf %mul3A_642, %mul3A_647 : vector<16xf32>
      %swap3A_649 = arith.index_cast %scan3A_18 : i32 to index
      %swap3A_650 = arith.constant 592 : index
      %swap3A_651 = tpu.vector_load %arg8[%swap3A_649, %swap3A_650] {strides = array<i32>} : memref<64x768xf32, #tpu.memory_space<vmem>>, vector<1x16xf32>,
      %swap3A_652 = vector.shape_cast %swap3A_651 : vector<1x16xf32> to vector<16xf32>
      %swap3A_653 = vector.shape_cast %add3A_648 : vector<16xf32> to vector<1x16xf32>
      tpu.vector_store %arg8[%swap3A_649, %swap3A_650], %swap3A_653 {strides = array<i32>} : memref<64x768xf32, #tpu.memory_space<vmem>>, vector<1x16xf32>,
      %get3A_654 = arith.index_cast %scan3A_18 : i32 to index
      %get3A_655 = arith.constant 608 : index
      %get3A_656 = tpu.vector_load %arg8[%get3A_654, %get3A_655] {strides = array<i32>} : memref<64x768xf32, #tpu.memory_space<vmem>>, vector<1x16xf32>,
      %get3A_657 = vector.shape_cast %get3A_656 : vector<1x16xf32> to vector<16xf32>
      %mul3A_658 = arith.mulf %gather3A_40, %get3A_657 : vector<16xf32>
      %get3A_659 = arith.index_cast %scan3A_18 : i32 to index
      %get3A_660 = arith.constant 608 : index
      %get3A_661 = tpu.vector_load %arg9[%get3A_659, %get3A_660] {strides = array<i32>} : memref<64x768xf32, #tpu.memory_space<vmem>>, vector<1x16xf32>,
      %get3A_662 = vector.shape_cast %get3A_661 : vector<1x16xf32> to vector<16xf32>
      %mul3A_663 = arith.mulf %gather3A_46, %get3A_662 : vector<16xf32>
      %add3A_664 = arith.addf %mul3A_658, %mul3A_663 : vector<16xf32>
      %swap3A_665 = arith.index_cast %scan3A_18 : i32 to index
      %swap3A_666 = arith.constant 608 : index
      %swap3A_667 = tpu.vector_load %arg8[%swap3A_665, %swap3A_666] {strides = array<i32>} : memref<64x768xf32, #tpu.memory_space<vmem>>, vector<1x16xf32>,
      %swap3A_668 = vector.shape_cast %swap3A_667 : vector<1x16xf32> to vector<16xf32>
      %swap3A_669 = vector.shape_cast %add3A_664 : vector<16xf32> to vector<1x16xf32>
      tpu.vector_store %arg8[%swap3A_665, %swap3A_666], %swap3A_669 {strides = array<i32>} : memref<64x768xf32, #tpu.memory_space<vmem>>, vector<1x16xf32>,
      %get3A_670 = arith.index_cast %scan3A_18 : i32 to index
      %get3A_671 = arith.constant 624 : index
      %get3A_672 = tpu.vector_load %arg8[%get3A_670, %get3A_671] {strides = array<i32>} : memref<64x768xf32, #tpu.memory_space<vmem>>, vector<1x16xf32>,
      %get3A_673 = vector.shape_cast %get3A_672 : vector<1x16xf32> to vector<16xf32>
      %mul3A_674 = arith.mulf %gather3A_40, %get3A_673 : vector<16xf32>
      %get3A_675 = arith.index_cast %scan3A_18 : i32 to index
      %get3A_676 = arith.constant 624 : index
      %get3A_677 = tpu.vector_load %arg9[%get3A_675, %get3A_676] {strides = array<i32>} : memref<64x768xf32, #tpu.memory_space<vmem>>, vector<1x16xf32>,
      %get3A_678 = vector.shape_cast %get3A_677 : vector<1x16xf32> to vector<16xf32>
      %mul3A_679 = arith.mulf %gather3A_46, %get3A_678 : vector<16xf32>
      %add3A_680 = arith.addf %mul3A_674, %mul3A_679 : vector<16xf32>
      %swap3A_681 = arith.index_cast %scan3A_18 : i32 to index
      %swap3A_682 = arith.constant 624 : index
      %swap3A_683 = tpu.vector_load %arg8[%swap3A_681, %swap3A_682] {strides = array<i32>} : memref<64x768xf32, #tpu.memory_space<vmem>>, vector<1x16xf32>,
      %swap3A_684 = vector.shape_cast %swap3A_683 : vector<1x16xf32> to vector<16xf32>
      %swap3A_685 = vector.shape_cast %add3A_680 : vector<16xf32> to vector<1x16xf32>
      tpu.vector_store %arg8[%swap3A_681, %swap3A_682], %swap3A_685 {strides = array<i32>} : memref<64x768xf32, #tpu.memory_space<vmem>>, vector<1x16xf32>,
      %get3A_686 = arith.index_cast %scan3A_18 : i32 to index
      %get3A_687 = arith.constant 640 : index
      %get3A_688 = tpu.vector_load %arg8[%get3A_686, %get3A_687] {strides = array<i32>} : memref<64x768xf32, #tpu.memory_space<vmem>>, vector<1x16xf32>,
      %get3A_689 = vector.shape_cast %get3A_688 : vector<1x16xf32> to vector<16xf32>
      %mul3A_690 = arith.mulf %gather3A_40, %get3A_689 : vector<16xf32>
      %get3A_691 = arith.index_cast %scan3A_18 : i32 to index
      %get3A_692 = arith.constant 640 : index
      %get3A_693 = tpu.vector_load %arg9[%get3A_691, %get3A_692] {strides = array<i32>} : memref<64x768xf32, #tpu.memory_space<vmem>>, vector<1x16xf32>,
      %get3A_694 = vector.shape_cast %get3A_693 : vector<1x16xf32> to vector<16xf32>
      %mul3A_695 = arith.mulf %gather3A_46, %get3A_694 : vector<16xf32>
      %add3A_696 = arith.addf %mul3A_690, %mul3A_695 : vector<16xf32>
      %swap3A_697 = arith.index_cast %scan3A_18 : i32 to index
      %swap3A_698 = arith.constant 640 : index
      %swap3A_699 = tpu.vector_load %arg8[%swap3A_697, %swap3A_698] {strides = array<i32>} : memref<64x768xf32, #tpu.memory_space<vmem>>, vector<1x16xf32>,
      %swap3A_700 = vector.shape_cast %swap3A_699 : vector<1x16xf32> to vector<16xf32>
      %swap3A_701 = vector.shape_cast %add3A_696 : vector<16xf32> to vector<1x16xf32>
      tpu.vector_store %arg8[%swap3A_697, %swap3A_698], %swap3A_701 {strides = array<i32>} : memref<64x768xf32, #tpu.memory_space<vmem>>, vector<1x16xf32>,
      %get3A_702 = arith.index_cast %scan3A_18 : i32 to index
      %get3A_703 = arith.constant 656 : index
      %get3A_704 = tpu.vector_load %arg8[%get3A_702, %get3A_703] {strides = array<i32>} : memref<64x768xf32, #tpu.memory_space<vmem>>, vector<1x16xf32>,
      %get3A_705 = vector.shape_cast %get3A_704 : vector<1x16xf32> to vector<16xf32>
      %mul3A_706 = arith.mulf %gather3A_40, %get3A_705 : vector<16xf32>
      %get3A_707 = arith.index_cast %scan3A_18 : i32 to index
      %get3A_708 = arith.constant 656 : index
      %get3A_709 = tpu.vector_load %arg9[%get3A_707, %get3A_708] {strides = array<i32>} : memref<64x768xf32, #tpu.memory_space<vmem>>, vector<1x16xf32>,
      %get3A_710 = vector.shape_cast %get3A_709 : vector<1x16xf32> to vector<16xf32>
      %mul3A_711 = arith.mulf %gather3A_46, %get3A_710 : vector<16xf32>
      %add3A_712 = arith.addf %mul3A_706, %mul3A_711 : vector<16xf32>
      %swap3A_713 = arith.index_cast %scan3A_18 : i32 to index
      %swap3A_714 = arith.constant 656 : index
      %swap3A_715 = tpu.vector_load %arg8[%swap3A_713, %swap3A_714] {strides = array<i32>} : memref<64x768xf32, #tpu.memory_space<vmem>>, vector<1x16xf32>,
      %swap3A_716 = vector.shape_cast %swap3A_715 : vector<1x16xf32> to vector<16xf32>
      %swap3A_717 = vector.shape_cast %add3A_712 : vector<16xf32> to vector<1x16xf32>
      tpu.vector_store %arg8[%swap3A_713, %swap3A_714], %swap3A_717 {strides = array<i32>} : memref<64x768xf32, #tpu.memory_space<vmem>>, vector<1x16xf32>,
      %get3A_718 = arith.index_cast %scan3A_18 : i32 to index
      %get3A_719 = arith.constant 672 : index
      %get3A_720 = tpu.vector_load %arg8[%get3A_718, %get3A_719] {strides = array<i32>} : memref<64x768xf32, #tpu.memory_space<vmem>>, vector<1x16xf32>,
      %get3A_721 = vector.shape_cast %get3A_720 : vector<1x16xf32> to vector<16xf32>
      %mul3A_722 = arith.mulf %gather3A_40, %get3A_721 : vector<16xf32>
      %get3A_723 = arith.index_cast %scan3A_18 : i32 to index
      %get3A_724 = arith.constant 672 : index
      %get3A_725 = tpu.vector_load %arg9[%get3A_723, %get3A_724] {strides = array<i32>} : memref<64x768xf32, #tpu.memory_space<vmem>>, vector<1x16xf32>,
      %get3A_726 = vector.shape_cast %get3A_725 : vector<1x16xf32> to vector<16xf32>
      %mul3A_727 = arith.mulf %gather3A_46, %get3A_726 : vector<16xf32>
      %add3A_728 = arith.addf %mul3A_722, %mul3A_727 : vector<16xf32>
      %swap3A_729 = arith.index_cast %scan3A_18 : i32 to index
      %swap3A_730 = arith.constant 672 : index
      %swap3A_731 = tpu.vector_load %arg8[%swap3A_729, %swap3A_730] {strides = array<i32>} : memref<64x768xf32, #tpu.memory_space<vmem>>, vector<1x16xf32>,
      %swap3A_732 = vector.shape_cast %swap3A_731 : vector<1x16xf32> to vector<16xf32>
      %swap3A_733 = vector.shape_cast %add3A_728 : vector<16xf32> to vector<1x16xf32>
      tpu.vector_store %arg8[%swap3A_729, %swap3A_730], %swap3A_733 {strides = array<i32>} : memref<64x768xf32, #tpu.memory_space<vmem>>, vector<1x16xf32>,
      %get3A_734 = arith.index_cast %scan3A_18 : i32 to index
      %get3A_735 = arith.constant 688 : index
      %get3A_736 = tpu.vector_load %arg8[%get3A_734, %get3A_735] {strides = array<i32>} : memref<64x768xf32, #tpu.memory_space<vmem>>, vector<1x16xf32>,
      %get3A_737 = vector.shape_cast %get3A_736 : vector<1x16xf32> to vector<16xf32>
      %mul3A_738 = arith.mulf %gather3A_40, %get3A_737 : vector<16xf32>
      %get3A_739 = arith.index_cast %scan3A_18 : i32 to index
      %get3A_740 = arith.constant 688 : index
      %get3A_741 = tpu.vector_load %arg9[%get3A_739, %get3A_740] {strides = array<i32>} : memref<64x768xf32, #tpu.memory_space<vmem>>, vector<1x16xf32>,
      %get3A_742 = vector.shape_cast %get3A_741 : vector<1x16xf32> to vector<16xf32>
      %mul3A_743 = arith.mulf %gather3A_46, %get3A_742 : vector<16xf32>
      %add3A_744 = arith.addf %mul3A_738, %mul3A_743 : vector<16xf32>
      %swap3A_745 = arith.index_cast %scan3A_18 : i32 to index
      %swap3A_746 = arith.constant 688 : index
      %swap3A_747 = tpu.vector_load %arg8[%swap3A_745, %swap3A_746] {strides = array<i32>} : memref<64x768xf32, #tpu.memory_space<vmem>>, vector<1x16xf32>,
      %swap3A_748 = vector.shape_cast %swap3A_747 : vector<1x16xf32> to vector<16xf32>
      %swap3A_749 = vector.shape_cast %add3A_744 : vector<16xf32> to vector<1x16xf32>
      tpu.vector_store %arg8[%swap3A_745, %swap3A_746], %swap3A_749 {strides = array<i32>} : memref<64x768xf32, #tpu.memory_space<vmem>>, vector<1x16xf32>,
      %get3A_750 = arith.index_cast %scan3A_18 : i32 to index
      %get3A_751 = arith.constant 704 : index
      %get3A_752 = tpu.vector_load %arg8[%get3A_750, %get3A_751] {strides = array<i32>} : memref<64x768xf32, #tpu.memory_space<vmem>>, vector<1x16xf32>,
      %get3A_753 = vector.shape_cast %get3A_752 : vector<1x16xf32> to vector<16xf32>
      %mul3A_754 = arith.mulf %gather3A_40, %get3A_753 : vector<16xf32>
      %get3A_755 = arith.index_cast %scan3A_18 : i32 to index
      %get3A_756 = arith.constant 704 : index
      %get3A_757 = tpu.vector_load %arg9[%get3A_755, %get3A_756] {strides = array<i32>} : memref<64x768xf32, #tpu.memory_space<vmem>>, vector<1x16xf32>,
      %get3A_758 = vector.shape_cast %get3A_757 : vector<1x16xf32> to vector<16xf32>
      %mul3A_759 = arith.mulf %gather3A_46, %get3A_758 : vector<16xf32>
      %add3A_760 = arith.addf %mul3A_754, %mul3A_759 : vector<16xf32>
      %swap3A_761 = arith.index_cast %scan3A_18 : i32 to index
      %swap3A_762 = arith.constant 704 : index
      %swap3A_763 = tpu.vector_load %arg8[%swap3A_761, %swap3A_762] {strides = array<i32>} : memref<64x768xf32, #tpu.memory_space<vmem>>, vector<1x16xf32>,
      %swap3A_764 = vector.shape_cast %swap3A_763 : vector<1x16xf32> to vector<16xf32>
      %swap3A_765 = vector.shape_cast %add3A_760 : vector<16xf32> to vector<1x16xf32>
      tpu.vector_store %arg8[%swap3A_761, %swap3A_762], %swap3A_765 {strides = array<i32>} : memref<64x768xf32, #tpu.memory_space<vmem>>, vector<1x16xf32>,
      %get3A_766 = arith.index_cast %scan3A_18 : i32 to index
      %get3A_767 = arith.constant 720 : index
      %get3A_768 = tpu.vector_load %arg8[%get3A_766, %get3A_767] {strides = array<i32>} : memref<64x768xf32, #tpu.memory_space<vmem>>, vector<1x16xf32>,
      %get3A_769 = vector.shape_cast %get3A_768 : vector<1x16xf32> to vector<16xf32>
      %mul3A_770 = arith.mulf %gather3A_40, %get3A_769 : vector<16xf32>
      %get3A_771 = arith.index_cast %scan3A_18 : i32 to index
      %get3A_772 = arith.constant 720 : index
      %get3A_773 = tpu.vector_load %arg9[%get3A_771, %get3A_772] {strides = array<i32>} : memref<64x768xf32, #tpu.memory_space<vmem>>, vector<1x16xf32>,
      %get3A_774 = vector.shape_cast %get3A_773 : vector<1x16xf32> to vector<16xf32>
      %mul3A_775 = arith.mulf %gather3A_46, %get3A_774 : vector<16xf32>
      %add3A_776 = arith.addf %mul3A_770, %mul3A_775 : vector<16xf32>
      %swap3A_777 = arith.index_cast %scan3A_18 : i32 to index
      %swap3A_778 = arith.constant 720 : index
      %swap3A_779 = tpu.vector_load %arg8[%swap3A_777, %swap3A_778] {strides = array<i32>} : memref<64x768xf32, #tpu.memory_space<vmem>>, vector<1x16xf32>,
      %swap3A_780 = vector.shape_cast %swap3A_779 : vector<1x16xf32> to vector<16xf32>
      %swap3A_781 = vector.shape_cast %add3A_776 : vector<16xf32> to vector<1x16xf32>
      tpu.vector_store %arg8[%swap3A_777, %swap3A_778], %swap3A_781 {strides = array<i32>} : memref<64x768xf32, #tpu.memory_space<vmem>>, vector<1x16xf32>,
      %get3A_782 = arith.index_cast %scan3A_18 : i32 to index
      %get3A_783 = arith.constant 736 : index
      %get3A_784 = tpu.vector_load %arg8[%get3A_782, %get3A_783] {strides = array<i32>} : memref<64x768xf32, #tpu.memory_space<vmem>>, vector<1x16xf32>,
      %get3A_785 = vector.shape_cast %get3A_784 : vector<1x16xf32> to vector<16xf32>
      %mul3A_786 = arith.mulf %gather3A_40, %get3A_785 : vector<16xf32>
      %get3A_787 = arith.index_cast %scan3A_18 : i32 to index
      %get3A_788 = arith.constant 736 : index
      %get3A_789 = tpu.vector_load %arg9[%get3A_787, %get3A_788] {strides = array<i32>} : memref<64x768xf32, #tpu.memory_space<vmem>>, vector<1x16xf32>,
      %get3A_790 = vector.shape_cast %get3A_789 : vector<1x16xf32> to vector<16xf32>
      %mul3A_791 = arith.mulf %gather3A_46, %get3A_790 : vector<16xf32>
      %add3A_792 = arith.addf %mul3A_786, %mul3A_791 : vector<16xf32>
      %swap3A_793 = arith.index_cast %scan3A_18 : i32 to index
      %swap3A_794 = arith.constant 736 : index
      %swap3A_795 = tpu.vector_load %arg8[%swap3A_793, %swap3A_794] {strides = array<i32>} : memref<64x768xf32, #tpu.memory_space<vmem>>, vector<1x16xf32>,
      %swap3A_796 = vector.shape_cast %swap3A_795 : vector<1x16xf32> to vector<16xf32>
      %swap3A_797 = vector.shape_cast %add3A_792 : vector<16xf32> to vector<1x16xf32>
      tpu.vector_store %arg8[%swap3A_793, %swap3A_794], %swap3A_797 {strides = array<i32>} : memref<64x768xf32, #tpu.memory_space<vmem>>, vector<1x16xf32>,
      %get3A_798 = arith.index_cast %scan3A_18 : i32 to index
      %get3A_799 = arith.constant 752 : index
      %get3A_800 = tpu.vector_load %arg8[%get3A_798, %get3A_799] {strides = array<i32>} : memref<64x768xf32, #tpu.memory_space<vmem>>, vector<1x16xf32>,
      %get3A_801 = vector.shape_cast %get3A_800 : vector<1x16xf32> to vector<16xf32>
      %mul3A_802 = arith.mulf %gather3A_40, %get3A_801 : vector<16xf32>
      %get3A_803 = arith.index_cast %scan3A_18 : i32 to index
      %get3A_804 = arith.constant 752 : index
      %get3A_805 = tpu.vector_load %arg9[%get3A_803, %get3A_804] {strides = array<i32>} : memref<64x768xf32, #tpu.memory_space<vmem>>, vector<1x16xf32>,
      %get3A_806 = vector.shape_cast %get3A_805 : vector<1x16xf32> to vector<16xf32>
      %mul3A_807 = arith.mulf %gather3A_46, %get3A_806 : vector<16xf32>
      %add3A_808 = arith.addf %mul3A_802, %mul3A_807 : vector<16xf32>
      %swap3A_809 = arith.index_cast %scan3A_18 : i32 to index
      %swap3A_810 = arith.constant 752 : index
      %swap3A_811 = tpu.vector_load %arg8[%swap3A_809, %swap3A_810] {strides = array<i32>} : memref<64x768xf32, #tpu.memory_space<vmem>>, vector<1x16xf32>,
      %swap3A_812 = vector.shape_cast %swap3A_811 : vector<1x16xf32> to vector<16xf32>
      %swap3A_813 = vector.shape_cast %add3A_808 : vector<16xf32> to vector<1x16xf32>
      tpu.vector_store %arg8[%swap3A_809, %swap3A_810], %swap3A_813 {strides = array<i32>} : memref<64x768xf32, #tpu.memory_space<vmem>>, vector<1x16xf32>,
    }
    %scan3A_17 = arith.constant 64 : i32
    "tpu.region"() ({
      %run_scoped3A = tpu.sem_alloc : memref<!tpu.dma_semaphore, #tpu.memory_space<semaphore_mem>>
      %dma_start3A_18 = arith.constant 0 : i32
      %dma_start3A_19 = tpu.memref_slice %arg7[%mul3A_2, %dma_start3A_18] : memref<2048x768xf32, #tpu.memory_space<hbm>> -> memref<64x768xf32, #tpu.memory_space<hbm>>
      %dma_start3A_20 = arith.constant 0 : i32
      %dma_start3A_21 = tpu.memref_slice %arg7[%mul3A_2, %dma_start3A_20] : memref<2048x768xf32, #tpu.memory_space<hbm>> -> memref<64x768xf32, #tpu.memory_space<hbm>>
      tpu.enqueue_dma source(%arg8 : memref<64x768xf32, #tpu.memory_space<vmem>>) target(%dma_start3A_21 : memref<64x768xf32, #tpu.memory_space<hbm>>) target_semaphore(%run_scoped3A : memref<!tpu.dma_semaphore, #tpu.memory_space<semaphore_mem>>)
      %dma_wait3A_22 = arith.constant 0 : i32
      %dma_wait3A_23 = tpu.memref_slice %arg7[%mul3A_2, %dma_wait3A_22] : memref<2048x768xf32, #tpu.memory_space<hbm>> -> memref<64x768xf32, #tpu.memory_space<hbm>>
      %dma_wait3A_24 = arith.constant 0 : i32
      %dma_wait3A_25 = tpu.memref_slice %arg7[%mul3A_2, %dma_wait3A_24] : memref<2048x768xf32, #tpu.memory_space<hbm>> -> memref<64x768xf32, #tpu.memory_space<hbm>>
      tpu.wait_dma2 semaphore(%run_scoped3A : memref<!tpu.dma_semaphore, #tpu.memory_space<semaphore_mem>>) src(%arg8 : memref<64x768xf32, #tpu.memory_space<vmem>>) dst(%dma_wait3A_25 : memref<64x768xf32, #tpu.memory_space<hbm>>)
      tpu.yield
    }) : () -> ()
    return
  }
}

module attributes {stable_mosaic.version = 14 : i64} {
  func.func @_router_body(%arg0: memref<2048x768xf32, #tpu.memory_space<vmem>>, %arg1: memref<768x8xf32, #tpu.memory_space<vmem>>, %arg2: memref<2048x1xi32, #tpu.memory_space<vmem>>, %arg3: memref<2048x1xi32, #tpu.memory_space<vmem>>, %arg4: memref<2048x1xf32, #tpu.memory_space<vmem>>, %arg5: memref<2048x1xf32, #tpu.memory_space<vmem>>, %arg6: memref<23x1xi32, #tpu.memory_space<vmem>>) attributes {dimension_semantics = [], scalar_prefetch = 0 : i64, scratch_operands = 0 : i64, tpu.core_type = #tpu.core_type<tc>} {
    %get3A = arith.constant 0 : index
    %get3A_0 = arith.constant 0 : index
    %get3A_1 = vector.load %arg0[%get3A, %get3A_0] : memref<2048x768xf32, #tpu.memory_space<vmem>>, vector<2048x768xf32>
    %get3A_2 = arith.constant 0 : index
    %get3A_3 = arith.constant 0 : index
    %get3A_4 = vector.load %arg1[%get3A_2, %get3A_3] : memref<768x8xf32, #tpu.memory_space<vmem>>, vector<768x8xf32>
    %dot_general3A = arith.constant dense<0.000000e+00> : vector<2048x8xf32>
    %dot_general3A_5 = tpu.matmul %get3A_1, %get3A_4, %dot_general3A {dimension_numbers = #tpu.dot_dimension_numbers<[1], [0], [0], [1], [0, 0, 1, 1], [], []>, transpose_lhs_hint = false} : vector<2048x768xf32>, vector<768x8xf32>, vector<2048x8xf32> -> vector<2048x8xf32>
    %iota3A = tpu.iota {dimensions = array<i32: 1>} : vector<2048x8xi32>
    %reduce_max3A = arith.constant dense<0xFF800000> : vector<2048xf32>
    %reduce_max3A_6 = vector.multi_reduction <maximumf>, %dot_general3A_5, %reduce_max3A [1] : vector<2048x8xf32> to vector<2048xf32>
    %broadcast_in_dim3A = vector.shape_cast %reduce_max3A_6 : vector<2048xf32> to vector<2048x1xf32>
    %eq3A = vector.broadcast %broadcast_in_dim3A : vector<2048x1xf32> to vector<2048x8xf32>
    %eq3A_7 = arith.cmpf oeq, %dot_general3A_5, %eq3A : vector<2048x8xf32>
    %jit3A = arith.constant 8 : i32
    %broadcast_in_dim3A_8 = vector.broadcast %jit3A : i32 to vector<2048x8xi32>
    %select_n3A = arith.select %eq3A_7, %iota3A, %broadcast_in_dim3A_8 : vector<2048x8xi1>, vector<2048x8xi32>
    %reduce_min3A = arith.constant dense<2147483647> : vector<2048xi32>
    %reduce_min3A_9 = vector.multi_reduction <minsi>, %select_n3A, %reduce_min3A [1] : vector<2048x8xi32> to vector<2048xi32>
    %broadcast_in_dim3A_10 = vector.shape_cast %reduce_min3A_9 : vector<2048xi32> to vector<2048x1xi32>
    %eq3A_11 = vector.broadcast %broadcast_in_dim3A_10 : vector<2048x1xi32> to vector<2048x8xi32>
    %eq3A_12 = arith.cmpi eq, %iota3A, %eq3A_11 : vector<2048x8xi32>
    %jit3A_13 = arith.constant 0xFF800000 : f32
    %broadcast_in_dim3A_14 = vector.broadcast %jit3A_13 : f32 to vector<2048x8xf32>
    %select_n3A_15 = arith.select %eq3A_12, %broadcast_in_dim3A_14, %dot_general3A_5 : vector<2048x8xi1>, vector<2048x8xf32>
    %reduce_max3A_16 = arith.constant dense<0xFF800000> : vector<2048xf32>
    %reduce_max3A_17 = vector.multi_reduction <maximumf>, %select_n3A_15, %reduce_max3A_16 [1] : vector<2048x8xf32> to vector<2048xf32>
    %broadcast_in_dim3A_18 = vector.shape_cast %reduce_max3A_17 : vector<2048xf32> to vector<2048x1xf32>
    %eq3A_19 = vector.broadcast %broadcast_in_dim3A_18 : vector<2048x1xf32> to vector<2048x8xf32>
    %eq3A_20 = arith.cmpf oeq, %select_n3A_15, %eq3A_19 : vector<2048x8xf32>
    %jit3A_21 = arith.constant 8 : i32
    %broadcast_in_dim3A_22 = vector.broadcast %jit3A_21 : i32 to vector<2048x8xi32>
    %select_n3A_23 = arith.select %eq3A_20, %iota3A, %broadcast_in_dim3A_22 : vector<2048x8xi1>, vector<2048x8xi32>
    %reduce_min3A_24 = arith.constant dense<2147483647> : vector<2048xi32>
    %reduce_min3A_25 = vector.multi_reduction <minsi>, %select_n3A_23, %reduce_min3A_24 [1] : vector<2048x8xi32> to vector<2048xi32>
    %broadcast_in_dim3A_26 = vector.shape_cast %reduce_min3A_25 : vector<2048xi32> to vector<2048x1xi32>
    %sub3A = arith.subf %broadcast_in_dim3A_18, %broadcast_in_dim3A : vector<2048x1xf32>
    %exp3A = math.exp %sub3A : vector<2048x1xf32>
    %add3A = arith.constant 1.000000e+00 : f32
    %add3A_27 = vector.broadcast %add3A : f32 to vector<2048x1xf32>
    %add3A_28 = arith.addf %add3A_27, %exp3A : vector<2048x1xf32>
    %div3A = arith.constant 1.000000e+00 : f32
    %div3A_29 = vector.broadcast %div3A : f32 to vector<2048x1xf32>
    %div3A_30 = arith.divf %div3A_29, %add3A_28 : vector<2048x1xf32>
    %swap3A = arith.constant 0 : index
    %swap3A_31 = arith.constant 0 : index
    %swap3A_32 = vector.load %arg4[%swap3A, %swap3A_31] : memref<2048x1xf32, #tpu.memory_space<vmem>>, vector<2048x1xf32>
    tpu.vector_store %arg4[%swap3A, %swap3A_31], %div3A_30 {strides = array<i32>} : memref<2048x1xf32, #tpu.memory_space<vmem>>, vector<2048x1xf32>,
    %sub3A_33 = arith.constant 1.000000e+00 : f32
    %sub3A_34 = vector.broadcast %sub3A_33 : f32 to vector<2048x1xf32>
    %sub3A_35 = arith.subf %sub3A_34, %div3A_30 : vector<2048x1xf32>
    %swap3A_36 = arith.constant 0 : index
    %swap3A_37 = arith.constant 0 : index
    %swap3A_38 = vector.load %arg5[%swap3A_36, %swap3A_37] : memref<2048x1xf32, #tpu.memory_space<vmem>>, vector<2048x1xf32>
    tpu.vector_store %arg5[%swap3A_36, %swap3A_37], %sub3A_35 {strides = array<i32>} : memref<2048x1xf32, #tpu.memory_space<vmem>>, vector<2048x1xf32>,
    %eq3A_39 = vector.broadcast %broadcast_in_dim3A_10 : vector<2048x1xi32> to vector<2048x8xi32>
    %eq3A_40 = arith.cmpi eq, %iota3A, %eq3A_39 : vector<2048x8xi32>
    %convert_element_type3A = arith.extui %eq3A_40 : vector<2048x8xi1> to vector<2048x8xi32>
    %convert_element_type3A_41 = arith.sitofp %convert_element_type3A : vector<2048x8xi32> to vector<2048x8xf32>
    %eq3A_42 = vector.broadcast %broadcast_in_dim3A_26 : vector<2048x1xi32> to vector<2048x8xi32>
    %eq3A_43 = arith.cmpi eq, %iota3A, %eq3A_42 : vector<2048x8xi32>
    %convert_element_type3A_44 = arith.extui %eq3A_43 : vector<2048x8xi1> to vector<2048x8xi32>
    %convert_element_type3A_45 = arith.sitofp %convert_element_type3A_44 : vector<2048x8xi32> to vector<2048x8xf32>
    %add3A_46 = arith.addf %convert_element_type3A_41, %convert_element_type3A_45 : vector<2048x8xf32>
    %iota3A_47 = tpu.iota {dimensions = array<i32: 0>} : vector<256x256xi32>
    %iota3A_48 = tpu.iota {dimensions = array<i32: 1>} : vector<256x256xi32>
    %le3A = arith.cmpi sle, %iota3A_48, %iota3A_47 : vector<256x256xi32>
    %convert_element_type3A_49 = arith.extui %le3A : vector<256x256xi1> to vector<256x256xi32>
    %convert_element_type3A_50 = arith.sitofp %convert_element_type3A_49 : vector<256x256xi32> to vector<256x256xf32>
    %reshape3A = vector.shape_cast %add3A_46 : vector<2048x8xf32> to vector<8x256x8xf32>
    %broadcast_in_dim3A_51 = vector.shape_cast %convert_element_type3A_50 : vector<256x256xf32> to vector<1x256x256xf32>
    %broadcast_in_dim3A_52 = vector.broadcast %broadcast_in_dim3A_51 : vector<1x256x256xf32> to vector<8x256x256xf32>
    %dot_general3A_53 = arith.constant dense<0.000000e+00> : vector<8x256x8xf32>
    %dot_general3A_54 = tpu.matmul %broadcast_in_dim3A_52, %reshape3A, %dot_general3A_53 {dimension_numbers = #tpu.dot_dimension_numbers<[2], [1], [1], [2], [0, 0, 0, 1, 1, 2], [0], [0]>, transpose_lhs_hint = false} : vector<8x256x256xf32>, vector<8x256x8xf32>, vector<8x256x8xf32> -> vector<8x256x8xf32>
    %slice3A = vector.extract_strided_slice %dot_general3A_54 {offsets = [0, 255, 0], sizes = [8, 1, 8], strides = [1, 1, 1]} : vector<8x256x8xf32> to vector<8x1x8xf32>
    %squeeze3A = vector.shape_cast %slice3A : vector<8x1x8xf32> to vector<8x8xf32>
    %iota3A_55 = tpu.iota {dimensions = array<i32: 0>} : vector<8x8xi32>
    %iota3A_56 = tpu.iota {dimensions = array<i32: 1>} : vector<8x8xi32>
    %lt3A = arith.cmpi slt, %iota3A_56, %iota3A_55 : vector<8x8xi32>
    %convert_element_type3A_57 = arith.extui %lt3A : vector<8x8xi1> to vector<8x8xi32>
    %convert_element_type3A_58 = arith.sitofp %convert_element_type3A_57 : vector<8x8xi32> to vector<8x8xf32>
    %dot_general3A_59 = arith.constant dense<0.000000e+00> : vector<8x8xf32>
    %dot_general3A_60 = tpu.matmul %convert_element_type3A_58, %squeeze3A, %dot_general3A_59 {dimension_numbers = #tpu.dot_dimension_numbers<[1], [0], [0], [1], [0, 0, 1, 1], [], []>, transpose_lhs_hint = false} : vector<8x8xf32>, vector<8x8xf32>, vector<8x8xf32> -> vector<8x8xf32>
    %broadcast_in_dim3A_61 = vector.shape_cast %dot_general3A_60 : vector<8x8xf32> to vector<8x1x8xf32>
    %add3A_62 = vector.broadcast %broadcast_in_dim3A_61 : vector<8x1x8xf32> to vector<8x256x8xf32>
    %add3A_63 = arith.addf %dot_general3A_54, %add3A_62 : vector<8x256x8xf32>
    %reshape3A_64 = vector.shape_cast %add3A_63 : vector<8x256x8xf32> to vector<2048x8xf32>
    %sub3A_65 = arith.subf %reshape3A_64, %add3A_46 : vector<2048x8xf32>
    %convert_element_type3A_66 = arith.fptosi %sub3A_65 : vector<2048x8xf32> to vector<2048x8xi32>
    %slice3A_67 = vector.extract_strided_slice %squeeze3A {offsets = [7, 0], sizes = [1, 8], strides = [1, 1]} : vector<8x8xf32> to vector<1x8xf32>
    %slice3A_68 = vector.extract_strided_slice %dot_general3A_60 {offsets = [7, 0], sizes = [1, 8], strides = [1, 1]} : vector<8x8xf32> to vector<1x8xf32>
    %add3A_69 = arith.addf %slice3A_67, %slice3A_68 : vector<1x8xf32>
    %convert_element_type3A_70 = arith.fptosi %add3A_69 : vector<1x8xf32> to vector<1x8xi32>
    %add3A_71 = arith.constant 255 : i32
    %add3A_72 = vector.broadcast %add3A_71 : i32 to vector<1x8xi32>
    %add3A_73 = arith.addi %convert_element_type3A_70, %add3A_72 : vector<1x8xi32>
    %jit3A_74 = arith.constant 256 : i32
    %div3A_75 = vector.broadcast %jit3A_74 : i32 to vector<1x8xi32>
    %div3A_76 = arith.divsi %add3A_73, %div3A_75 : vector<1x8xi32>
    %sign3A = arith.constant 0 : i32
    %sign3A_77 = vector.broadcast %sign3A : i32 to vector<1x8xi32>
    %sign3A_78 = arith.cmpi sgt, %add3A_73, %sign3A_77 : vector<1x8xi32>
    %sign3A_79 = arith.extui %sign3A_78 : vector<1x8xi1> to vector<1x8xi32>
    %sign3A_80 = arith.constant 0 : i32
    %sign3A_81 = vector.broadcast %sign3A_80 : i32 to vector<1x8xi32>
    %sign3A_82 = arith.cmpi slt, %add3A_73, %sign3A_81 : vector<1x8xi32>
    %sign3A_83 = arith.extui %sign3A_82 : vector<1x8xi1> to vector<1x8xi32>
    %sign3A_84 = arith.subi %sign3A_79, %sign3A_83 : vector<1x8xi32>
    %sign3A_85 = arith.constant 0 : i32
    %sign3A_86 = arith.cmpi sgt, %jit3A_74, %sign3A_85 : i32
    %sign3A_87 = arith.extui %sign3A_86 : i1 to i32
    %sign3A_88 = arith.constant 0 : i32
    %sign3A_89 = arith.cmpi slt, %jit3A_74, %sign3A_88 : i32
    %sign3A_90 = arith.extui %sign3A_89 : i1 to i32
    %sign3A_91 = arith.subi %sign3A_87, %sign3A_90 : i32
    %ne3A = vector.broadcast %sign3A_91 : i32 to vector<1x8xi32>
    %ne3A_92 = arith.cmpi ne, %sign3A_84, %ne3A : vector<1x8xi32>
    %rem3A = vector.broadcast %jit3A_74 : i32 to vector<1x8xi32>
    %rem3A_93 = arith.remsi %add3A_73, %rem3A : vector<1x8xi32>
    %ne3A_94 = arith.constant 0 : i32
    %ne3A_95 = vector.broadcast %ne3A_94 : i32 to vector<1x8xi32>
    %ne3A_96 = arith.cmpi ne, %rem3A_93, %ne3A_95 : vector<1x8xi32>
    %and3A = arith.andi %ne3A_92, %ne3A_96 : vector<1x8xi1>
    %sub3A_97 = arith.constant 1 : i32
    %sub3A_98 = vector.broadcast %sub3A_97 : i32 to vector<1x8xi32>
    %sub3A_99 = arith.subi %div3A_76, %sub3A_98 : vector<1x8xi32>
    %select_n3A_100 = arith.select %and3A, %sub3A_99, %div3A_76 : vector<1x8xi1>, vector<1x8xi32>
    %mul3A = arith.constant 256 : i32
    %mul3A_101 = vector.broadcast %mul3A : i32 to vector<1x8xi32>
    %mul3A_102 = arith.muli %select_n3A_100, %mul3A_101 : vector<1x8xi32>
    %iota3A_103 = tpu.iota {dimensions = array<i32: 0>} : vector<8x8xi32>
    %iota3A_104 = tpu.iota {dimensions = array<i32: 1>} : vector<8x8xi32>
    %lt3A_105 = arith.cmpi slt, %iota3A_103, %iota3A_104 : vector<8x8xi32>
    %convert_element_type3A_106 = arith.extui %lt3A_105 : vector<8x8xi1> to vector<8x8xi32>
    %convert_element_type3A_107 = arith.sitofp %convert_element_type3A_106 : vector<8x8xi32> to vector<8x8xf32>
    %convert_element_type3A_108 = arith.sitofp %mul3A_102 : vector<1x8xi32> to vector<1x8xf32>
    %dot_general3A_109 = arith.constant dense<0.000000e+00> : vector<1x8xf32>
    %dot_general3A_110 = tpu.matmul %convert_element_type3A_108, %convert_element_type3A_107, %dot_general3A_109 {dimension_numbers = #tpu.dot_dimension_numbers<[1], [0], [0], [1], [0, 0, 1, 1], [], []>, transpose_lhs_hint = false} : vector<1x8xf32>, vector<8x8xf32>, vector<1x8xf32> -> vector<1x8xf32>
    %convert_element_type3A_111 = arith.fptosi %dot_general3A_110 : vector<1x8xf32> to vector<1x8xi32>
    %broadcast_in_dim3A_112 = vector.shape_cast %convert_element_type3A_111 : vector<1x8xi32> to vector<1x8xi32>
    %broadcast_in_dim3A_113 = vector.broadcast %broadcast_in_dim3A_112 : vector<1x8xi32> to vector<2048x8xi32>
    %eq3A_114 = vector.broadcast %broadcast_in_dim3A_10 : vector<2048x1xi32> to vector<2048x8xi32>
    %eq3A_115 = arith.cmpi eq, %iota3A, %eq3A_114 : vector<2048x8xi32>
    %jit3A_116 = arith.constant 0 : i32
    %broadcast_in_dim3A_117 = vector.broadcast %jit3A_116 : i32 to vector<2048x8xi32>
    %select_n3A_118 = arith.select %eq3A_115, %broadcast_in_dim3A_113, %broadcast_in_dim3A_117 : vector<2048x8xi1>, vector<2048x8xi32>
    %reduce_sum3A = arith.constant dense<0> : vector<2048xi32>
    %reduce_sum3A_119 = vector.multi_reduction <add>, %select_n3A_118, %reduce_sum3A [1] : vector<2048x8xi32> to vector<2048xi32>
    %broadcast_in_dim3A_120 = vector.shape_cast %reduce_sum3A_119 : vector<2048xi32> to vector<2048x1xi32>
    %eq3A_121 = vector.broadcast %broadcast_in_dim3A_10 : vector<2048x1xi32> to vector<2048x8xi32>
    %eq3A_122 = arith.cmpi eq, %iota3A, %eq3A_121 : vector<2048x8xi32>
    %jit3A_123 = arith.constant 0 : i32
    %broadcast_in_dim3A_124 = vector.broadcast %jit3A_123 : i32 to vector<2048x8xi32>
    %select_n3A_125 = arith.select %eq3A_122, %convert_element_type3A_66, %broadcast_in_dim3A_124 : vector<2048x8xi1>, vector<2048x8xi32>
    %reduce_sum3A_126 = arith.constant dense<0> : vector<2048xi32>
    %reduce_sum3A_127 = vector.multi_reduction <add>, %select_n3A_125, %reduce_sum3A_126 [1] : vector<2048x8xi32> to vector<2048xi32>
    %broadcast_in_dim3A_128 = vector.shape_cast %reduce_sum3A_127 : vector<2048xi32> to vector<2048x1xi32>
    %add3A_129 = arith.addi %broadcast_in_dim3A_120, %broadcast_in_dim3A_128 : vector<2048x1xi32>
    %swap3A_130 = arith.constant 0 : index
    %swap3A_131 = arith.constant 0 : index
    %swap3A_132 = vector.load %arg2[%swap3A_130, %swap3A_131] : memref<2048x1xi32, #tpu.memory_space<vmem>>, vector<2048x1xi32>
    tpu.vector_store %arg2[%swap3A_130, %swap3A_131], %add3A_129 {strides = array<i32>} : memref<2048x1xi32, #tpu.memory_space<vmem>>, vector<2048x1xi32>,
    %eq3A_133 = vector.broadcast %broadcast_in_dim3A_26 : vector<2048x1xi32> to vector<2048x8xi32>
    %eq3A_134 = arith.cmpi eq, %iota3A, %eq3A_133 : vector<2048x8xi32>
    %jit3A_135 = arith.constant 0 : i32
    %broadcast_in_dim3A_136 = vector.broadcast %jit3A_135 : i32 to vector<2048x8xi32>
    %select_n3A_137 = arith.select %eq3A_134, %broadcast_in_dim3A_113, %broadcast_in_dim3A_136 : vector<2048x8xi1>, vector<2048x8xi32>
    %reduce_sum3A_138 = arith.constant dense<0> : vector<2048xi32>
    %reduce_sum3A_139 = vector.multi_reduction <add>, %select_n3A_137, %reduce_sum3A_138 [1] : vector<2048x8xi32> to vector<2048xi32>
    %broadcast_in_dim3A_140 = vector.shape_cast %reduce_sum3A_139 : vector<2048xi32> to vector<2048x1xi32>
    %eq3A_141 = vector.broadcast %broadcast_in_dim3A_26 : vector<2048x1xi32> to vector<2048x8xi32>
    %eq3A_142 = arith.cmpi eq, %iota3A, %eq3A_141 : vector<2048x8xi32>
    %jit3A_143 = arith.constant 0 : i32
    %broadcast_in_dim3A_144 = vector.broadcast %jit3A_143 : i32 to vector<2048x8xi32>
    %select_n3A_145 = arith.select %eq3A_142, %convert_element_type3A_66, %broadcast_in_dim3A_144 : vector<2048x8xi1>, vector<2048x8xi32>
    %reduce_sum3A_146 = arith.constant dense<0> : vector<2048xi32>
    %reduce_sum3A_147 = vector.multi_reduction <add>, %select_n3A_145, %reduce_sum3A_146 [1] : vector<2048x8xi32> to vector<2048xi32>
    %broadcast_in_dim3A_148 = vector.shape_cast %reduce_sum3A_147 : vector<2048xi32> to vector<2048x1xi32>
    %add3A_149 = arith.addi %broadcast_in_dim3A_140, %broadcast_in_dim3A_148 : vector<2048x1xi32>
    %swap3A_150 = arith.constant 0 : index
    %swap3A_151 = arith.constant 0 : index
    %swap3A_152 = vector.load %arg3[%swap3A_150, %swap3A_151] : memref<2048x1xi32, #tpu.memory_space<vmem>>, vector<2048x1xi32>
    tpu.vector_store %arg3[%swap3A_150, %swap3A_151], %add3A_149 {strides = array<i32>} : memref<2048x1xi32, #tpu.memory_space<vmem>>, vector<2048x1xi32>,
    %add3A_153 = arith.addi %convert_element_type3A_111, %mul3A_102 : vector<1x8xi32>
    %broadcast_in_dim3A_154 = vector.shape_cast %add3A_153 : vector<1x8xi32> to vector<1x8xi32>
    %broadcast_in_dim3A_155 = vector.broadcast %broadcast_in_dim3A_154 : vector<1x8xi32> to vector<23x8xi32>
    %iota3A_156 = tpu.iota {dimensions = array<i32: 0>} : vector<23x8xi32>
    %mul3A_157 = arith.constant 256 : i32
    %mul3A_158 = vector.broadcast %mul3A_157 : i32 to vector<23x8xi32>
    %mul3A_159 = arith.muli %iota3A_156, %mul3A_158 : vector<23x8xi32>
    %ge3A = arith.cmpi sge, %mul3A_159, %broadcast_in_dim3A_155 : vector<23x8xi32>
    %convert_element_type3A_160 = arith.extui %ge3A : vector<23x8xi1> to vector<23x8xi32>
    %reduce_sum3A_161 = arith.constant dense<0> : vector<23xi32>
    %reduce_sum3A_162 = vector.multi_reduction <add>, %convert_element_type3A_160, %reduce_sum3A_161 [1] : vector<23x8xi32> to vector<23xi32>
    %broadcast_in_dim3A_163 = vector.shape_cast %reduce_sum3A_162 : vector<23xi32> to vector<23x1xi32>
    %min3A = arith.constant 7 : i32
    %min3A_164 = vector.broadcast %min3A : i32 to vector<23x1xi32>
    %min3A_165 = arith.minsi %broadcast_in_dim3A_163, %min3A_164 : vector<23x1xi32>
    %swap3A_166 = arith.constant 0 : index
    %swap3A_167 = arith.constant 0 : index
    %swap3A_168 = vector.load %arg6[%swap3A_166, %swap3A_167] : memref<23x1xi32, #tpu.memory_space<vmem>>, vector<23x1xi32>
    tpu.vector_store %arg6[%swap3A_166, %swap3A_167], %min3A_165 {strides = array<i32>} : memref<23x1xi32, #tpu.memory_space<vmem>>, vector<23x1xi32>,
    return
  }
}

module attributes {stable_mosaic.version = 14 : i64} {
  func.func @_ffn_body(%arg0: i32, %arg1: memref<23xi32, #tpu.memory_space<smem>>, %arg2: memref<256x768xf32, #tpu.memory_space<vmem>>, %arg3: memref<1x768x1536xf32, #tpu.memory_space<vmem>>, %arg4: memref<1x768x768xf32, #tpu.memory_space<vmem>>, %arg5: memref<256x768xf32, #tpu.memory_space<vmem>>) attributes {dimension_semantics = [#tpu.dimension_semantics<arbitrary>], iteration_bounds = array<i64: 23>, scalar_prefetch = 1 : i64, scratch_operands = 0 : i64, tpu.core_type = #tpu.core_type<tc>, window_params = [{transform_indices = @transform_0, window_bounds = array<i64: 256, 768>}, {transform_indices = @transform_1, window_bounds = array<i64: 1, 768, 1536>}, {transform_indices = @transform_2, window_bounds = array<i64: 1, 768, 768>}, {transform_indices = @transform_3, window_bounds = array<i64: 256, 768>}]} {
    %get3A = arith.constant 0 : index
    %get3A_0 = arith.constant 0 : index
    %get3A_1 = vector.load %arg2[%get3A, %get3A_0] : memref<256x768xf32, #tpu.memory_space<vmem>>, vector<256x768xf32>
    %get3A_2 = arith.constant 0 : index
    %get3A_3 = arith.constant 0 : index
    %get3A_4 = arith.constant 0 : index
    %get3A_5 = vector.load %arg3[%get3A_2, %get3A_3, %get3A_4] : memref<1x768x1536xf32, #tpu.memory_space<vmem>>, vector<1x768x1536xf32>
    %get3A_6 = vector.shape_cast %get3A_5 : vector<1x768x1536xf32> to vector<768x1536xf32>
    %dot_general3A = arith.constant dense<0.000000e+00> : vector<256x1536xf32>
    %dot_general3A_7 = tpu.matmul %get3A_1, %get3A_6, %dot_general3A {dimension_numbers = #tpu.dot_dimension_numbers<[1], [0], [0], [1], [0, 0, 1, 1], [], []>, transpose_lhs_hint = false} : vector<256x768xf32>, vector<768x1536xf32>, vector<256x1536xf32> -> vector<256x1536xf32>
    %slice3A = vector.extract_strided_slice %dot_general3A_7 {offsets = [0, 0], sizes = [256, 768], strides = [1, 1]} : vector<256x1536xf32> to vector<256x768xf32>
    %slice3A_8 = vector.extract_strided_slice %dot_general3A_7 {offsets = [0, 768], sizes = [256, 768], strides = [1, 1]} : vector<256x1536xf32> to vector<256x768xf32>
    %logistic3A = arith.negf %slice3A : vector<256x768xf32>
    %logistic3A_9 = math.exp %logistic3A : vector<256x768xf32>
    %logistic3A_10 = arith.constant 1.000000e+00 : f32
    %logistic3A_11 = vector.broadcast %logistic3A_10 : f32 to vector<256x768xf32>
    %logistic3A_12 = arith.addf %logistic3A_11, %logistic3A_9 : vector<256x768xf32>
    %logistic3A_13 = arith.divf %logistic3A_11, %logistic3A_12 : vector<256x768xf32>
    %mul3A = arith.mulf %slice3A, %logistic3A_13 : vector<256x768xf32>
    %mul3A_14 = arith.mulf %slice3A_8, %mul3A : vector<256x768xf32>
    %get3A_15 = arith.constant 0 : index
    %get3A_16 = arith.constant 0 : index
    %get3A_17 = arith.constant 0 : index
    %get3A_18 = vector.load %arg4[%get3A_15, %get3A_16, %get3A_17] : memref<1x768x768xf32, #tpu.memory_space<vmem>>, vector<1x768x768xf32>
    %get3A_19 = vector.shape_cast %get3A_18 : vector<1x768x768xf32> to vector<768x768xf32>
    %dot_general3A_20 = arith.constant dense<0.000000e+00> : vector<256x768xf32>
    %dot_general3A_21 = tpu.matmul %mul3A_14, %get3A_19, %dot_general3A_20 {dimension_numbers = #tpu.dot_dimension_numbers<[1], [0], [0], [1], [0, 0, 1, 1], [], []>, transpose_lhs_hint = false} : vector<256x768xf32>, vector<768x768xf32>, vector<256x768xf32> -> vector<256x768xf32>
    %swap3A = arith.constant 0 : index
    %swap3A_22 = arith.constant 0 : index
    %swap3A_23 = vector.load %arg5[%swap3A, %swap3A_22] : memref<256x768xf32, #tpu.memory_space<vmem>>, vector<256x768xf32>
    tpu.vector_store %arg5[%swap3A, %swap3A_22], %dot_general3A_21 {strides = array<i32>} : memref<256x768xf32, #tpu.memory_space<vmem>>, vector<256x768xf32>,
    return
  }
  func.func @transform_0(%arg0: i32, %arg1: memref<23xi32, #tpu.memory_space<smem>>) -> (i32, i32) {
    %c0_i32 = arith.constant 0 : i32
    %c0_i32_0 = arith.constant 0 : i32
    return %arg0, %c0_i32 : i32, i32
  }
  func.func @transform_1(%arg0: i32, %arg1: memref<23xi32, #tpu.memory_space<smem>>) -> (i32, i32, i32) {
    %get3A = arith.index_cast %arg0 : i32 to index
    %get3A_0 = memref.load %arg1[%get3A] : memref<23xi32, #tpu.memory_space<smem>>
    %c0_i32 = arith.constant 0 : i32
    %c0_i32_1 = arith.constant 0 : i32
    %c0_i32_2 = arith.constant 0 : i32
    return %get3A_0, %c0_i32, %c0_i32_1 : i32, i32, i32
  }
  func.func @transform_2(%arg0: i32, %arg1: memref<23xi32, #tpu.memory_space<smem>>) -> (i32, i32, i32) {
    %get3A = arith.index_cast %arg0 : i32 to index
    %get3A_0 = memref.load %arg1[%get3A] : memref<23xi32, #tpu.memory_space<smem>>
    %c0_i32 = arith.constant 0 : i32
    %c0_i32_1 = arith.constant 0 : i32
    %c0_i32_2 = arith.constant 0 : i32
    return %get3A_0, %c0_i32, %c0_i32_1 : i32, i32, i32
  }
  func.func @transform_3(%arg0: i32, %arg1: memref<23xi32, #tpu.memory_space<smem>>) -> (i32, i32) {
    %c0_i32 = arith.constant 0 : i32
    %c0_i32_0 = arith.constant 0 : i32
    return %arg0, %c0_i32 : i32, i32
  }
}

</mosaic_0001>

<sc_bundles>
// kernel: kernel.6.cloned.1.call-start
scs
__scs_entry_jumppad:
0x0: {  	(pc) =	sbr.rel $0x88, $3  }
0x1: {  	(tag) =	ssettag $0x0;
	lr =	simm.s32 $0x1  }
0x2: {  	[smem:$0x3F9D] =	sst lr;
	_ =	strace $0xD0000000  }
0x3: {  	_ = 	snop  }
0x4: {  	_ = 	snop  }
0x5: {  	_ = 	snop  }
0x6: {  	_ = 	snop  }
0x7: {  	_ = 	snop  }
__scs_overlays_trampoline_lowered:
0x8: {  	[smem:$0x3FAC] =	sst s0  }
0x9: {  	[smem:$0x3FAD] =	sst s1  }
0xa: {  	[smem:$0x3FAE] =	sst s2  }
0xb: {  	[smem:$0x3FAF] =	sst s3  }
0xc: {  	[smem:$0x3FB0] =	sst s4  }
0xd: {  	[smem:$0x3FB1] =	sst s5  }
0xe: {  	[smem:$0x3FB2] =	sst s6  }
0xf: {  	[smem:$0x3FB3] =	sst s7  }
0x10: {  	[smem:$0x3FB4] =	sst s8  }
0x11: {  	[smem:$0x3FB5] =	sst s9;
	s0 =	simm.s32 @!p0 $0x0  }
0x12: {  	s1 =	sld [smem:$0x3F9B];
	s0 =	simm.s32 @p0 $0x1  }
0x13: {  	[smem:$0x3FB6] =	sst s0;
	s0 =	simm.s32 @!p1 $0x0  }
0x14: {  	s2 =	sld [smem:$0x3F9A];
	s0 =	simm.s32 @p1 $0x1  }
0x15: {  	[smem:$0x3FB7] =	sst s0;
	s0 =	simm.s32 @!p2 $0x0  }
0x16: {  	s3 =	sld [smem:$0x3FDB];
	s0 =	simm.s32 @p2 $0x1  }
0x17: {  	s4 =	simm.s32 $0x1BF5;
	[smem:$0x3FB9] =	sst s0  }
0x18: {  	s0 =	sld [smem:$0x3F9C];
	_ =	swait.ge [sflag:s4], $0x0  }
0x19: {  	s7 =	sld [smem:$0x3F9D]  }
0x1a: {  	s8 =	sadd.s32 $0xFFFFE003, lr  }
0x1b: {  	s9 =	sadd.s32 $0xFFFFFEF7, lr;
	s5 =	simm.s32 $0xFFFFFFFF;
	p2 =	slt.u32 s8, $0xFFFFF086  }
0x1c: {  	p1 =	slt.u32 s9, $0xF7A;
	s5 =	simm.s32 @!p2 $0x0  }
0x1d: {  	s5 =	simm.s32 @p1 $0x1;
	p0 =	seq.s32 s7, s2  }
0x1e: {  	s7 =	smul.u32 @!p0 $0xF7A, s2;
	p2 =	seq.s32 @!p0 s5, $0x0  }
0x1f: {  	s9 =	smul.u32 $0xF7A, s1;
	s8 =	simm.s32 @!p0 $0x1BF5;
	p2 =	por !p2, p0  }
0x20: {  	[sflag:s8] =	ssyncset.s32 @!p0 $0xFFFFF086;
	s6 =	sadd.s32 @!p0 s3, s7;
	s7 =	simm.s32 @!p0 $0x108  }
0x21: {  	s3 =	sadd.s32 s3, s9;
	s6 =	sadd.s32 @!p0 $0x88, s6;
	s7 =	simm.s32 @p2 $0x1082  }
0x22: {  	[simem:s7], [sflag:s8] =	dma.local @!p0 [hbm:s6], $0xF7A  }
0x23: {  	s9 =	sor.u32 $0xD0000000, s2;
	s6 =	simm.s32 $0x108;
	_ =	swait.ge @!p0 [sflag:s8], $0x0  }
0x24: {  	s3 =	sadd.s32 $0x88, s3;
	s6 =	simm.s32 @!p1 $0x1082;
	[sflag:s4] =	ssyncset.s32 $0xFFFFF086  }
0x25: {  	[simem:s6], [sflag:s4] =	dma.local [hbm:s3], $0xF7A  }
0x26: {  	[smem:$0x3F9D] =	sst s1;
	(tag) =	ssettag s2;
	_ =	strace s9  }
0x27: {  	s1 =	sld [smem:$0x3FAD]  }
0x28: {  	s2 =	sld [smem:$0x3FAE]  }
0x29: {  	s4 =	sld [smem:$0x3FB0]  }
0x2a: {  	p0 =	seq.s32 s5, $0x0;
	s5 =	sld [smem:$0x3FB1]  }
0x2b: {  	s6 =	sld [smem:$0x3FB2]  }
0x2c: {  	s7 =	sld [smem:$0x3FB3]  }
0x2d: {  	s3 =	simm.s32 $0x108;
	s8 =	sld [smem:$0x3FB4]  }
0x2e: {  	s3 =	simm.s32 @!p0 $0x1082;
	s9 =	sld [smem:$0x3FB5]  }
0x2f: {  	lr =	sadd.s32 s0, s3;
	s0 =	sld [smem:$0x3FAC]  }
0x30: {  	s3 =	sld [smem:$0x3FAF]  }
0x31: {  	[smem:$0x3FB8] =	sst s10  }
0x32: {  	s10 =	sld [smem:$0x3FB6];
	_ =	sdelay $0x3  }
0x33: {  	p0 =	seq.s32 s10, $0x1;
	s10 =	sld [smem:$0x3FB8];
	_ =	sdelay $0x3  }
0x34: {  	[smem:$0x3FB8] =	sst s10  }
0x35: {  	s10 =	sld [smem:$0x3FB7];
	_ =	sdelay $0x3  }
0x36: {  	p1 =	seq.s32 s10, $0x1;
	s10 =	sld [smem:$0x3FB8];
	_ =	sdelay $0x3  }
0x37: {  	[smem:$0x3FB8] =	sst s10  }
0x38: {  	s10 =	sld [smem:$0x3FB9]  }
0x39: {  	_ = 	snop;
	(pc) =	sbr.ind lr, $3  }
0x3a: {  	_ = 	snop  }
0x3b: {  	_ = 	snop  }
0x3c: {  	p2 =	seq.s32 s10, $0x1;
	s10 =	sld [smem:$0x3FB8]  }
0x3d: {  	_ =	shalt  }
0x3e: {  	_ =	shalt  }
0x3f: {  	_ =	shalt  }
0x40: {  	_ =	shalt  }
0x41: {  	_ =	shalt  }
0x42: {  	_ =	shalt  }
0x43: {  	_ =	shalt  }
0x44: {  	_ =	shalt  }
0x45: {  	_ =	shalt  }
0x46: {  	_ =	shalt  }
0x47: {  	_ =	shalt  }
0x48: {  	_ =	shalt  }
0x49: {  	_ =	shalt  }
0x4a: {  	_ =	shalt  }
0x4b: {  	_ =	shalt  }
0x4c: {  	_ =	shalt  }
0x4d: {  	_ =	shalt  }
0x4e: {  	_ =	shalt  }
0x4f: {  	_ =	shalt  }
0x50: {  	_ =	shalt  }
0x51: {  	_ =	shalt  }
0x52: {  	_ =	shalt  }
0x53: {  	_ =	shalt  }
0x54: {  	_ =	shalt  }
0x55: {  	_ =	shalt  }
0x56: {  	_ =	shalt  }
0x57: {  	_ =	shalt  }
0x58: {  	_ =	shalt  }
0x59: {  	_ =	shalt  }
0x5a: {  	_ =	shalt  }
0x5b: {  	_ =	shalt  }
0x5c: {  	_ =	shalt  }
0x5d: {  	_ =	shalt  }
0x5e: {  	_ =	shalt  }
0x5f: {  	_ =	shalt  }
0x60: {  	_ =	shalt  }
0x61: {  	_ =	shalt  }
0x62: {  	_ =	shalt  }
0x63: {  	_ =	shalt  }
0x64: {  	_ =	shalt  }
0x65: {  	_ =	shalt  }
0x66: {  	_ =	shalt  }
0x67: {  	_ =	shalt  }
0x68: {  	_ =	shalt  }
0x69: {  	_ =	shalt  }
0x6a: {  	_ =	shalt  }
0x6b: {  	_ =	shalt  }
0x6c: {  	_ =	shalt  }
0x6d: {  	_ =	shalt  }
0x6e: {  	_ =	shalt  }
0x6f: {  	_ =	shalt  }
0x70: {  	_ =	shalt  }
0x71: {  	_ =	shalt  }
0x72: {  	_ =	shalt  }
0x73: {  	_ =	shalt  }
0x74: {  	_ =	shalt  }
0x75: {  	_ =	shalt  }
0x76: {  	_ =	shalt  }
0x77: {  	_ =	shalt  }
0x78: {  	_ =	shalt  }
0x79: {  	_ =	shalt  }
0x7a: {  	_ =	shalt  }
0x7b: {  	_ =	shalt  }
0x7c: {  	_ =	shalt  }
0x7d: {  	_ =	shalt  }
0x7e: {  	_ =	shalt  }
0x7f: {  	_ =	shalt  }
0x80: {  	_ =	shalt  }
0x81: {  	_ =	shalt  }
0x82: {  	_ =	shalt  }
0x83: {  	_ =	shalt  }
0x84: {  	_ =	shalt  }
0x85: {  	_ =	shalt  }
0x86: {  	_ =	shalt  }
0x87: {  	_ =	shalt  }
.Lfunc_end0:
.L_simem_size_0:
called_computation_lowered:
.L_overlay_start_0:
0x88: {  	s2 =	sld [smem:$0x3FD9]  }
0x89: {  	s3 =	sld [smem:$0x3FFE];
	_ =	sdelay $0x1  }
0x8a: {  	s1 =	srdreg.scid  }
0x8b: {  	s0 =	sand.u32 $0x1, s1  }
0x8c: {  	s17 =	sshll.u32 s0, $0xA;
	s2 =	sadd.s32 s3, s2  }
0x8d: {  	s2 =	sadd.s32 s2, s17  }
0x8e: {  	[smem:$0x3FC4] =	sst s2  }
0x8f: {  	_ = 	snop  }
0x90: {  	s2 =	sld [smem:$0x3FC9];
	(tm) =	ssettm $0x1  }
0x91: {  	s18 =	sld [smem:$0x3FFB];
	_ =	sdelay $0x3  }
0x92: {  	_ =	strace s18  }
0x93: {  	s3 =	sld [smem:$0x3FFC];
	_ =	sdelay $0x3  }
0x94: {  	_ =	strace s3  }
0x95: {  	s3 =	sld [smem:$0x3FFD];
	_ =	sdelay $0x3  }
0x96: {  	_ =	strace s3  }
0x97: {  	_ =	strace $0x8FFFFFFF  }
0x98: {  	s19 =	sld [smem:$0x3FDB];
	_ =	sdelay $0x1  }
0x99: {  	s4 =	simm.s32 $_scs_section_size  }
0x9a: {  	s5 =	simm.s32 $_size__tile_overlayer_lowered;
	s6 =	simm.s32 $_tile_overlayer_lowered  }
0x9b: {  	s22 =	simm.s32 $0x1BFF;
	s21 =	sshll.u32 s6, $0x1;
	s3 =	sadd.s32 s4, s19  }
0x9c: {  	s7 =	simm.s32 $0x0;
	s20 =	sshll.u32 s5, $0x1;
	s5 =	sadd.s32 s21, s3  }
0x9d: {  	[timem:s7], [sflag:s22] =	dma.local [hbm:s5], s20  }
0x9e: {  	_ =	swait.ge [sflag:s22], s20  }
0x9f: {  	s4 =	ssub.s32 $0x0, s20;
	[sflag:s22] =	ssyncset.done $0x0  }
0xa0: {  	[sflag:s22] =	ssyncadd.s32 s4;
	_ =	sdelay $0x1  }
0xa1: {  	s23 =	simm.s32 $0x1B8B  }
0xa2: {  	_ =	swait.ge [sflag:s23], $0x1  }
0xa3: {  	[sflag:s23] =	ssyncset.done $0x0  }
0xa4: {  	s25 =	simm.s32 $0x1B8E;
	s24 =	sld [smem:$0x3FFE];
	[sflag:s23] =	ssyncadd.s32 $0xFFFFFFFF  }
0xa5: {  	s26 =	simm.s32 $execute0_lowered;
	[smem:$0x3FD2] =	sst s25  }
0xa6: {  	s5 =	sshll.u32 s26, $0x1;
	_ =	strace $0x80000046;
	[dreg:$0x1] =	wrdreg $0xFFFFFFFF  }
0xa7: {  	s28 =	simm.s32 $_size_execute0_lowered;
	s3 =	sadd.s32 s3, s5;
	[dreg:$0x0] =	wrdreg $0x0  }
0xa8: {  	s5 =	sshll.u32 s28, $0x1;
	[dreg:$0x2] =	wrdreg s3  }
0xa9: {  	[dreg:$0x3] =	wrdreg s5  }
0xaa: {  	[dreg:$0x4] =	wrdreg $0xC0  }
0xab: {  	_ =	task [dreg:s7], $0x5FFFF  }
0xac: {  	[dreg:$0x1] =	wrdreg $0xFFFFFFFF  }
0xad: {  	[dreg:$0x0] =	wrdreg $0x60  }
0xae: {  	[dreg:$0x2] =	wrdreg s2  }
0xaf: {  	[dreg:$0x3] =	wrdreg s24  }
0xb0: {  	[dreg:$0x4] =	wrdreg $0x9  }
0xb1: {  	_ =	task.clear_ibuf [dreg:s7], $0x5FFFF;
	_ =	strace $0x90000046  }
0xb2: {  	s29 =	simm.s32 $0x9;
	_ =	strace $0x80000048  }
0xb3: {  	_ =	swait.ge [sflag:s29], $0x1  }
0xb4: {  	[sflag:s29] =	ssyncadd.s32 $0xFFFFFFFF  }
0xb5: {  	_ =	strace $0x90000048  }
0xb6: {  	_ =	sfence  }
0xb7: {  	s30 =	sld [smem:$0x0];
	_ =	sdelay $0x2  }
0xb8: {  	s31 =	sshll.u32 s1, $0xD;
	s1 =	sshrl.u32 s1, $0x2  }
0xb9: {  	s3 =	sand.u32 $0x4000, s31;
	s1 =	sadd.s32 s1, s30  }
0xba: {  	s0 =	sor.u32 s3, s0;
	s1 =	sshll.u32 s1, $0x11  }
0xbb: {  	s0 =	sor.u32 s1, s0  }
0xbc: {  	s0 =	sadd.s32 $0x8F2B, s0  }
0xbd: {  	[sflag:s0] =	ssyncadd.remote.s32 $0x1  }
0xbe: {  	_ =	sfence.sel $0xFFFF  }
0xbf: {  	[dreg:$0x0] =	wrdreg $0xFFFFFFFF;
	(pc) =	sbr.abs _section_cstart, $3  }
0xc0: {  	[dreg:$0x1] =	wrdreg $0xFFFFFFFF  }
0xc1: {  	_ =	task.clear_ibuf [dreg:s7], $0x2FFFF;
	_ =	strace $0x9FFFFFFF  }
0xc2: {  	(tm) =	ssettm $0x7FFFFFFF  }
0xc3: {  	_ =	shalt  }
tec
execute0_lowered:
.L_overlay_start_1:
0x0: {  	(tag) =	ssettag $0x1  }
0x1: {  	s0 =	srdreg.scid;
	s1 =	rddreg [dreg:$0x0]  }
0x2: {  	s2 =	stileid.u32;
	s3 =	rddreg [dreg:$0x1];
	s25 =	simm.s32 $0xC000  }
0x3: {  	s26 =	simm.s32 $0xC080;
	s8 =	simm.s32 $0x3;
	s11 =	simm.s32 $0x1800  }
0x4: {  	s12 =	simm.s32 $0x2000;
	s13 =	simm.s32 $0x2800;
	s14 =	simm.s32 $0x3000  }
0x5: {  	s15 =	simm.s32 $0x3800;
	s16 =	simm.s32 $0x4000;
	s17 =	simm.s32 $0x4800  }
0x6: {  	s18 =	simm.s32 $0x5000;
	s19 =	simm.s32 $0x5800;
	s20 =	simm.s32 $0x6000  }
0x7: {  	s21 =	simm.s32 $0x6800;
	s22 =	simm.s32 $0x7000;
	s23 =	simm.s32 $0x7800  }
0x8: {  	s24 =	simm.s32 $0x8000;
	s28 =	simm.s32 $0x9800;
	s29 =	simm.s32 $0xA000  }
0x9: {  	s30 =	simm.s32 $0xA800;
	s31 =	simm.s32 $0xB000;
	s0 =	sand.u32 $0x1, s0  }
0xa: {  	s4 =	sshll.u32 s2, $0x4;
	s2 =	simm.s32 $0x0;
	s5 =	sshll.u32 s0, $0x3  }
0xb: {  	[smem:$0x7FF] =	sst s2;
	s0 =	ssub.s32 $0x2, s0;
	s4 =	sor.u32 s5, s4  }
0xc: {  	_ =	strace $0x80000047;
	s6 =	sshrl.u32 s0, $0x1;
	[dreg:$0x5] =	wrdreg s25  }
0xd: {  	[dreg:$0x6] =	wrdreg s26;
	s25 =	simm.s32 $0x8800;
	s26 =	simm.s32 $0x9000  }
0xe: {  	s5 =	sadd.s32 s3, s4;
	s4 =	smul.u32 $0x300, s4;
	s0 =	ssub.s32 s0, s6  }
0xf: {  	s6 =	sadd.s32 $0x600, s3;
	[dreg:$0x7] =	wrdreg s5;
	s5 =	sadd.s32 $0x200, s5  }
0x10: {  	v2 =	vlaneseq.u32;
	s7 =	smax.u32 s0, $0x1;
	s0 =	simm.s32 $0x1;
	[dreg:$0x3] =	wrdreg s5  }
0x11: {  	vm0 =	vmmov $0xffff;
	v1 =	vshrl.u32 v2, $0x3;
	s1 =	sadd.s32 s1, s4;
	s4 =	sadd.s32 $0x400, s3;
	s5 =	sadd.s32 $0x500, s3  }
0x12: {  	v0 =	vand.u32 $0x7, v2;
	v2 =	vor.u32 $0x8, v2;
	v1 =	vmul.u32 $0x8, v1;
	s3 =	simm.s32 $0x2;
	[dreg:$0x4] =	wrdreg s1;
	s1 =	simm.s32 $0xB800  }
.LBB2_1:
0x13: {  	s9 =	rddreg [dreg:$0x5]  }
0x14: {  	s10 =	rddreg [dreg:$0x7]  }
0x15: {  	[tilespmem:s9], [sflag:$0x3] =	stream.linear.gather [hbm4b:s10+s2], $0x40, $0x38;
	[tilespmem:$0xC100] =	vst v63  }
0x16: {  	_ =	swait.ge [sflag:s8], $0x40  }
0x17: {  	s9 =	rddreg [dreg:$0x3];
	[sflag:s8] =	ssyncset.done $0x0  }
0x18: {  	s10 =	rddreg [dreg:$0x6];
	[sflag:s8] =	ssyncadd.s32 $0xFFFFFFC0  }
0x19: {  	[tilespmem:s10], [sflag:$0x3] =	stream.linear.gather [hbm4b:s9+s2], $0x40, $0x38;
	[tilespmem:$0xC100] =	vst v63  }
0x1a: {  	_ =	swait.ge [sflag:s8], $0x40  }
0x1b: {  	[sflag:s8] =	ssyncset.done $0x0  }
0x1c: {  	s10 =	rddreg [dreg:$0x4];
	[sflag:s8] =	ssyncadd.s32 $0xFFFFFFC0  }
0x1d: {  	[tilespmem:s2], [sflag:$0x3] =	stream.linear.gather [hbm4b:s10+s2], $0xC000, $0x38;
	[tilespmem:$0xC100] =	vst v63  }
0x1e: {  	_ =	swait.ge [sflag:s8], $0xC000  }
0x1f: {  	[sflag:s8] =	ssyncset.done $0x0  }
0x20: {  	[sflag:s8] =	ssyncadd.s32 $0xFFFF4000  }
0x21: {  	v3 =	vld [tilespmem:$0xC000];
	_ =	sdelay $0x4  }
0x22: {  	v4 =	vshrl.u32 v3, $0x3  }
0x23: {  	v4 =	vmul.u32 $0x30, v4  }
0x24: {  	v3 =	vand.u32 $0x7, v3  }
0x25: {  	v3 =	vor.u32 v3, v4  }
0x26: {  	v4 =	vperm.xlane v3, v0;
	_ =	sdelay $0x1  }
0x27: {  	v4 =	vadd.s32 v1, v4;
	_ =	sdelay $0x3  }
0x28: {  	v3 =	vperm.xlane v3, v2  }
0x29: {  	[hbm4b:s4+s2] =	stream.indirect_vreg.scatter [tilespmem:s2], [sflag:$0x1], $0x80, v4, vm0, $0xb8;
	[tilespmem:$0xC100] =	vst v63  }
0x2a: {  	s9 =	simm.s32 $0x800;
	v3 =	vadd.s32 v1, v3  }
0x2b: {  	[hbm4b:s5+s2] =	stream.indirect_vreg.scatter [tilespmem:s9], [sflag:$0x1], $0x80, v4, vm0, $0xb8;
	[tilespmem:$0xC100] =	vst v63  }
0x2c: {  	s10 =	simm.s32 $0x1000  }
0x2d: {  	[hbm4b:s6+s2] =	stream.indirect_vreg.scatter [tilespmem:s10], [sflag:$0x1], $0x80, v4, vm0, $0xb8;
	[tilespmem:$0xC100] =	vst v63  }
0x2e: {  	_ = 	snop  }
0x2f: {  	[hbm4b:s4+s2] =	stream.indirect_vreg.scatter [tilespmem:s11], [sflag:$0x1], $0x80, v3, vm0, $0xb8;
	[tilespmem:$0xC100] =	vst v63  }
0x30: {  	_ = 	snop  }
0x31: {  	[hbm4b:s5+s2] =	stream.indirect_vreg.scatter [tilespmem:s12], [sflag:$0x1], $0x80, v3, vm0, $0xb8;
	[tilespmem:$0xC100] =	vst v63  }
0x32: {  	_ = 	snop  }
0x33: {  	[hbm4b:s6+s2] =	stream.indirect_vreg.scatter [tilespmem:s13], [sflag:$0x1], $0x80, v3, vm0, $0xb8;
	[tilespmem:$0xC100] =	vst v63  }
0x34: {  	v3 =	vld [tilespmem:$0xC010];
	_ =	sdelay $0x4  }
0x35: {  	v57 =	vshrl.u32 v3, $0x3  }
0x36: {  	v4 =	vmul.u32 $0x30, v57  }
0x37: {  	v3 =	vand.u32 $0x7, v3  }
0x38: {  	v3 =	vor.u32 v3, v4  }
0x39: {  	v4 =	vperm.xlane v3, v0;
	_ =	sdelay $0x1  }
0x3a: {  	v4 =	vadd.s32 v1, v4;
	_ =	sdelay $0x3  }
0x3b: {  	v3 =	vperm.xlane v3, v2  }
0x3c: {  	[hbm4b:s4+s2] =	stream.indirect_vreg.scatter [tilespmem:s14], [sflag:$0x1], $0x80, v4, vm0, $0xb8;
	[tilespmem:$0xC100] =	vst v63  }
0x3d: {  	v3 =	vadd.s32 v1, v3  }
0x3e: {  	[hbm4b:s5+s2] =	stream.indirect_vreg.scatter [tilespmem:s15], [sflag:$0x1], $0x80, v4, vm0, $0xb8;
	[tilespmem:$0xC100] =	vst v63  }
0x3f: {  	_ = 	snop  }
0x40: {  	[hbm4b:s6+s2] =	stream.indirect_vreg.scatter [tilespmem:s16], [sflag:$0x1], $0x80, v4, vm0, $0xb8;
	[tilespmem:$0xC100] =	vst v63  }
0x41: {  	_ = 	snop  }
0x42: {  	[hbm4b:s4+s2] =	stream.indirect_vreg.scatter [tilespmem:s17], [sflag:$0x1], $0x80, v3, vm0, $0xb8;
	[tilespmem:$0xC100] =	vst v63  }
0x43: {  	_ = 	snop  }
0x44: {  	[hbm4b:s5+s2] =	stream.indirect_vreg.scatter [tilespmem:s18], [sflag:$0x1], $0x80, v3, vm0, $0xb8;
	[tilespmem:$0xC100] =	vst v63  }
0x45: {  	_ = 	snop  }
0x46: {  	[hbm4b:s6+s2] =	stream.indirect_vreg.scatter [tilespmem:s19], [sflag:$0x1], $0x80, v3, vm0, $0xb8;
	[tilespmem:$0xC100] =	vst v63  }
0x47: {  	v3 =	vld [tilespmem:$0xC020];
	_ =	sdelay $0x4  }
0x48: {  	v58 =	vshrl.u32 v3, $0x3  }
0x49: {  	v4 =	vmul.u32 $0x30, v58  }
0x4a: {  	v3 =	vand.u32 $0x7, v3  }
0x4b: {  	v3 =	vor.u32 v3, v4  }
0x4c: {  	v4 =	vperm.xlane v3, v0;
	_ =	sdelay $0x1  }
0x4d: {  	v4 =	vadd.s32 v1, v4;
	_ =	sdelay $0x3  }
0x4e: {  	v3 =	vperm.xlane v3, v2  }
0x4f: {  	[hbm4b:s4+s2] =	stream.indirect_vreg.scatter [tilespmem:s20], [sflag:$0x1], $0x80, v4, vm0, $0xb8;
	[tilespmem:$0xC100] =	vst v63  }
0x50: {  	v3 =	vadd.s32 v1, v3  }
0x51: {  	[hbm4b:s5+s2] =	stream.indirect_vreg.scatter [tilespmem:s21], [sflag:$0x1], $0x80, v4, vm0, $0xb8;
	[tilespmem:$0xC100] =	vst v63  }
0x52: {  	_ = 	snop  }
0x53: {  	[hbm4b:s6+s2] =	stream.indirect_vreg.scatter [tilespmem:s22], [sflag:$0x1], $0x80, v4, vm0, $0xb8;
	[tilespmem:$0xC100] =	vst v63  }
0x54: {  	_ = 	snop  }
0x55: {  	[hbm4b:s4+s2] =	stream.indirect_vreg.scatter [tilespmem:s23], [sflag:$0x1], $0x80, v3, vm0, $0xb8;
	[tilespmem:$0xC100] =	vst v63  }
0x56: {  	_ = 	snop  }
0x57: {  	[hbm4b:s5+s2] =	stream.indirect_vreg.scatter [tilespmem:s24], [sflag:$0x1], $0x80, v3, vm0, $0xb8;
	[tilespmem:$0xC100] =	vst v63  }
0x58: {  	_ = 	snop  }
0x59: {  	[hbm4b:s6+s2] =	stream.indirect_vreg.scatter [tilespmem:s25], [sflag:$0x1], $0x80, v3, vm0, $0xb8;
	[tilespmem:$0xC100] =	vst v63  }
0x5a: {  	v3 =	vld [tilespmem:$0xC030];
	_ =	sdelay $0x4  }
0x5b: {  	v59 =	vshrl.u32 v3, $0x3  }
0x5c: {  	v4 =	vmul.u32 $0x30, v59  }
0x5d: {  	v3 =	vand.u32 $0x7, v3  }
0x5e: {  	v3 =	vor.u32 v3, v4  }
0x5f: {  	v4 =	vperm.xlane v3, v0;
	_ =	sdelay $0x1  }
0x60: {  	v4 =	vadd.s32 v1, v4;
	_ =	sdelay $0x3  }
0x61: {  	v3 =	vperm.xlane v3, v2  }
0x62: {  	[hbm4b:s4+s2] =	stream.indirect_vreg.scatter [tilespmem:s26], [sflag:$0x1], $0x80, v4, vm0, $0xb8;
	[tilespmem:$0xC100] =	vst v63  }
0x63: {  	v3 =	vadd.s32 v1, v3  }
0x64: {  	[hbm4b:s5+s2] =	stream.indirect_vreg.scatter [tilespmem:s28], [sflag:$0x1], $0x80, v4, vm0, $0xb8;
	[tilespmem:$0xC100] =	vst v63  }
0x65: {  	_ = 	snop  }
0x66: {  	[hbm4b:s6+s2] =	stream.indirect_vreg.scatter [tilespmem:s29], [sflag:$0x1], $0x80, v4, vm0, $0xb8;
	[tilespmem:$0xC100] =	vst v63  }
0x67: {  	_ = 	snop  }
0x68: {  	[hbm4b:s4+s2] =	stream.indirect_vreg.scatter [tilespmem:s30], [sflag:$0x1], $0x80, v3, vm0, $0xb8;
	[tilespmem:$0xC100] =	vst v63  }
0x69: {  	_ = 	snop  }
0x6a: {  	[hbm4b:s5+s2] =	stream.indirect_vreg.scatter [tilespmem:s31], [sflag:$0x1], $0x80, v3, vm0, $0xb8;
	[tilespmem:$0xC100] =	vst v63  }
0x6b: {  	_ = 	snop  }
0x6c: {  	[hbm4b:s6+s2] =	stream.indirect_vreg.scatter [tilespmem:s1], [sflag:$0x1], $0x80, v3, vm0, $0xb8;
	[tilespmem:$0xC100] =	vst v63  }
0x6d: {  	v3 =	vld [tilespmem:$0xC080];
	_ =	sdelay $0x4  }
0x6e: {  	v60 =	vshrl.u32 v3, $0x3  }
0x6f: {  	v4 =	vmul.u32 $0x30, v60  }
0x70: {  	v3 =	vand.u32 $0x7, v3  }
0x71: {  	v3 =	vor.u32 v3, v4  }
0x72: {  	v4 =	vperm.xlane v3, v0;
	_ =	sdelay $0x1  }
0x73: {  	v4 =	vadd.s32 v1, v4;
	_ =	sdelay $0x3  }
0x74: {  	v3 =	vperm.xlane v3, v2  }
0x75: {  	[hbm4b:s4+s2] =	stream.indirect_vreg.scatter [tilespmem:s2], [sflag:$0x2], $0x80, v4, vm0, $0xb8;
	[tilespmem:$0xC100] =	vst v63  }
0x76: {  	v3 =	vadd.s32 v1, v3  }
0x77: {  	[hbm4b:s5+s2] =	stream.indirect_vreg.scatter [tilespmem:s9], [sflag:$0x2], $0x80, v4, vm0, $0xb8;
	[tilespmem:$0xC100] =	vst v63  }
0x78: {  	_ = 	snop  }
0x79: {  	[hbm4b:s6+s2] =	stream.indirect_vreg.scatter [tilespmem:s10], [sflag:$0x2], $0x80, v4, vm0, $0xb8;
	[tilespmem:$0xC100] =	vst v63  }
0x7a: {  	_ = 	snop  }
0x7b: {  	[hbm4b:s4+s2] =	stream.indirect_vreg.scatter [tilespmem:s11], [sflag:$0x2], $0x80, v3, vm0, $0xb8;
	[tilespmem:$0xC100] =	vst v63  }
0x7c: {  	_ = 	snop  }
0x7d: {  	[hbm4b:s5+s2] =	stream.indirect_vreg.scatter [tilespmem:s12], [sflag:$0x2], $0x80, v3, vm0, $0xb8;
	[tilespmem:$0xC100] =	vst v63  }
0x7e: {  	_ = 	snop  }
0x7f: {  	[hbm4b:s6+s2] =	stream.indirect_vreg.scatter [tilespmem:s13], [sflag:$0x2], $0x80, v3, vm0, $0xb8;
	[tilespmem:$0xC100] =	vst v63  }
0x80: {  	v3 =	vld [tilespmem:$0xC090];
	_ =	sdelay $0x4  }
0x81: {  	v61 =	vshrl.u32 v3, $0x3  }
0x82: {  	v4 =	vmul.u32 $0x30, v61  }
0x83: {  	v3 =	vand.u32 $0x7, v3  }
0x84: {  	v3 =	vor.u32 v3, v4  }
0x85: {  	v4 =	vperm.xlane v3, v0;
	_ =	sdelay $0x1  }
0x86: {  	v4 =	vadd.s32 v1, v4;
	_ =	sdelay $0x3  }
0x87: {  	v3 =	vperm.xlane v3, v2  }
0x88: {  	[hbm4b:s4+s2] =	stream.indirect_vreg.scatter [tilespmem:s14], [sflag:$0x2], $0x80, v4, vm0, $0xb8;
	[tilespmem:$0xC100] =	vst v63  }
0x89: {  	v3 =	vadd.s32 v1, v3  }
0x8a: {  	[hbm4b:s5+s2] =	stream.indirect_vreg.scatter [tilespmem:s15], [sflag:$0x2], $0x80, v4, vm0, $0xb8;
	[tilespmem:$0xC100] =	vst v63  }
0x8b: {  	_ = 	snop  }
0x8c: {  	[hbm4b:s6+s2] =	stream.indirect_vreg.scatter [tilespmem:s16], [sflag:$0x2], $0x80, v4, vm0, $0xb8;
	[tilespmem:$0xC100] =	vst v63  }
0x8d: {  	_ = 	snop  }
0x8e: {  	[hbm4b:s4+s2] =	stream.indirect_vreg.scatter [tilespmem:s17], [sflag:$0x2], $0x80, v3, vm0, $0xb8;
	[tilespmem:$0xC100] =	vst v63  }
0x8f: {  	_ = 	snop  }
0x90: {  	[hbm4b:s5+s2] =	stream.indirect_vreg.scatter [tilespmem:s18], [sflag:$0x2], $0x80, v3, vm0, $0xb8;
	[tilespmem:$0xC100] =	vst v63  }
0x91: {  	_ = 	snop  }
0x92: {  	[hbm4b:s6+s2] =	stream.indirect_vreg.scatter [tilespmem:s19], [sflag:$0x2], $0x80, v3, vm0, $0xb8;
	[tilespmem:$0xC100] =	vst v63  }
0x93: {  	v3 =	vld [tilespmem:$0xC0A0];
	_ =	sdelay $0x4  }
0x94: {  	v62 =	vshrl.u32 v3, $0x3  }
0x95: {  	v4 =	vmul.u32 $0x30, v62  }
0x96: {  	v3 =	vand.u32 $0x7, v3  }
0x97: {  	v3 =	vor.u32 v3, v4  }
0x98: {  	v4 =	vperm.xlane v3, v0;
	_ =	sdelay $0x1  }
0x99: {  	v4 =	vadd.s32 v1, v4;
	_ =	sdelay $0x3  }
0x9a: {  	v3 =	vperm.xlane v3, v2  }
0x9b: {  	[hbm4b:s4+s2] =	stream.indirect_vreg.scatter [tilespmem:s20], [sflag:$0x2], $0x80, v4, vm0, $0xb8;
	[tilespmem:$0xC100] =	vst v63  }
0x9c: {  	v3 =	vadd.s32 v1, v3  }
0x9d: {  	[hbm4b:s5+s2] =	stream.indirect_vreg.scatter [tilespmem:s21], [sflag:$0x2], $0x80, v4, vm0, $0xb8;
	[tilespmem:$0xC100] =	vst v63  }
0x9e: {  	_ = 	snop  }
0x9f: {  	[hbm4b:s6+s2] =	stream.indirect_vreg.scatter [tilespmem:s22], [sflag:$0x2], $0x80, v4, vm0, $0xb8;
	[tilespmem:$0xC100] =	vst v63  }
0xa0: {  	_ = 	snop  }
0xa1: {  	[hbm4b:s4+s2] =	stream.indirect_vreg.scatter [tilespmem:s23], [sflag:$0x2], $0x80, v3, vm0, $0xb8;
	[tilespmem:$0xC100] =	vst v63  }
0xa2: {  	_ = 	snop  }
0xa3: {  	[hbm4b:s5+s2] =	stream.indirect_vreg.scatter [tilespmem:s24], [sflag:$0x2], $0x80, v3, vm0, $0xb8;
	[tilespmem:$0xC100] =	vst v63  }
0xa4: {  	_ = 	snop  }
0xa5: {  	[hbm4b:s6+s2] =	stream.indirect_vreg.scatter [tilespmem:s25], [sflag:$0x2], $0x80, v3, vm0, $0xb8;
	[tilespmem:$0xC100] =	vst v63  }
0xa6: {  	v3 =	vld [tilespmem:$0xC0B0];
	_ =	sdelay $0x4  }
0xa7: {  	v63 =	vshrl.u32 v3, $0x3  }
0xa8: {  	v4 =	vmul.u32 $0x30, v63  }
0xa9: {  	v3 =	vand.u32 $0x7, v3  }
0xaa: {  	v3 =	vor.u32 v3, v4  }
0xab: {  	v4 =	vperm.xlane v3, v0;
	_ =	sdelay $0x1  }
0xac: {  	v4 =	vadd.s32 v1, v4;
	_ =	sdelay $0x3  }
0xad: {  	v3 =	vperm.xlane v3, v2  }
0xae: {  	[hbm4b:s4+s2] =	stream.indirect_vreg.scatter [tilespmem:s26], [sflag:$0x2], $0x80, v4, vm0, $0xb8;
	[tilespmem:$0xC100] =	vst v63  }
0xaf: {  	v3 =	vadd.s32 v1, v3  }
0xb0: {  	[hbm4b:s5+s2] =	stream.indirect_vreg.scatter [tilespmem:s28], [sflag:$0x2], $0x80, v4, vm0, $0xb8;
	[tilespmem:$0xC100] =	vst v63  }
0xb1: {  	_ = 	snop  }
0xb2: {  	[hbm4b:s6+s2] =	stream.indirect_vreg.scatter [tilespmem:s29], [sflag:$0x2], $0x80, v4, vm0, $0xb8;
	[tilespmem:$0xC100] =	vst v63  }
0xb3: {  	_ = 	snop  }
0xb4: {  	[hbm4b:s4+s2] =	stream.indirect_vreg.scatter [tilespmem:s30], [sflag:$0x2], $0x80, v3, vm0, $0xb8;
	[tilespmem:$0xC100] =	vst v63  }
0xb5: {  	_ = 	snop  }
0xb6: {  	[hbm4b:s5+s2] =	stream.indirect_vreg.scatter [tilespmem:s31], [sflag:$0x2], $0x80, v3, vm0, $0xb8;
	[tilespmem:$0xC100] =	vst v63  }
0xb7: {  	_ = 	snop  }
0xb8: {  	[hbm4b:s6+s2] =	stream.indirect_vreg.scatter [tilespmem:s1], [sflag:$0x2], $0x80, v3, vm0, $0xb8;
	[tilespmem:$0xC100] =	vst v63  }
0xb9: {  	p0 =	sne.s32 s7, $0x1;
	_ =	swait.ge [sflag:s0], $0xC000  }
.Ltmp0:
0xba: {  	[sflag:s0] =	ssyncset.done $0x0;
	(pc) =	sbr.rel @p0 .LBB2_1-.Ltmp0, $4  }
0xbb: {  	[sflag:s0] =	ssyncadd.s32 $0xFFFF4000  }
0xbc: {  	_ =	swait.ge [sflag:s3], $0xC000  }
0xbd: {  	[sflag:s3] =	ssyncset.done $0x0  }
0xbe: {  	s7 =	sadd.s32 $0xFFFFFFFF, s7;
	[sflag:s3] =	ssyncadd.s32 $0xFFFF4000  }
0xbf: {  	_ =	sfence.sel $0x180000  }
0xc0: {  	[bflag:$0x0] =	sbarrier.arrive $0xFFFF  }
0xc1: {  	_ =	strace $0x90000047  }
0xc2: {  	s0 =	stileid.u32;
	[bflag:$0x2] =	sbarrier.arrive $0xFFFF  }
0xc3: {  	p0 =	sne.s32 s0, $0x0;
	s0 =	rddreg [dreg:$0x2]  }
0xc4: {  	s0 =	sadd.s32 @!p0 $0x100000, s0  }
0xc5: {  	[sflag:s0] =	ssyncadd.tile.s32 @!p0 $0x1;
	_ =	shalt  }
.Lfunc_end2:
_tile_overlayer_lowered:
.L_overlay_start_2:
0xc6: {  	(tag) =	ssettag $0x2  }
0xc7: {  	s0 =	rddreg [dreg:$0x0];
	s2 =	stileid.u32  }
0xc8: {  	s1 =	rddreg [dreg:$0x1];
	p0 =	sne.s32 s2, $0x0  }
0xc9: {  	s3 =	rddreg [dreg:$0x2];
	[bflag:$0x3] =	sbarrier.arrive $0xFFFF;
	s2 =	simm.s32 @!p0 $0x1C03  }
0xca: {  	[timem:s3], [sflag:s2] =	dma.local @!p0 [hbm:s0], s1  }
0xcb: {  	s0 =	simm.s32 @!p0 $0x3  }
0xcc: {  	_ =	swait.ge @!p0 [sflag:s0], s1  }
0xcd: {  	s1 =	ssub.s32 @!p0 $0x0, s1;
	[sflag:s0] =	ssyncset.done @!p0 $0x0  }
0xce: {  	[sflag:s0] =	ssyncadd.s32 @!p0 s1  }
0xcf: {  	[bflag:$0x3] =	sbarrier.arrive $0xFFFF  }
0xd0: {  	_ =	shalt  }

// kernel: kernel.9.cloned.1.call-start
scs
__scs_entry_jumppad:
0x0: {  	(pc) =	sbr.rel $0x88, $3  }
0x1: {  	(tag) =	ssettag $0x0;
	lr =	simm.s32 $0x1  }
0x2: {  	[smem:$0x3F9D] =	sst lr;
	_ =	strace $0xD0000000  }
0x3: {  	_ = 	snop  }
0x4: {  	_ = 	snop  }
0x5: {  	_ = 	snop  }
0x6: {  	_ = 	snop  }
0x7: {  	_ = 	snop  }
__scs_overlays_trampoline_lowered:
0x8: {  	[smem:$0x3FAC] =	sst s0  }
0x9: {  	[smem:$0x3FAD] =	sst s1  }
0xa: {  	[smem:$0x3FAE] =	sst s2  }
0xb: {  	[smem:$0x3FAF] =	sst s3  }
0xc: {  	[smem:$0x3FB0] =	sst s4  }
0xd: {  	[smem:$0x3FB1] =	sst s5  }
0xe: {  	[smem:$0x3FB2] =	sst s6  }
0xf: {  	[smem:$0x3FB3] =	sst s7  }
0x10: {  	[smem:$0x3FB4] =	sst s8  }
0x11: {  	[smem:$0x3FB5] =	sst s9;
	s0 =	simm.s32 @!p0 $0x0  }
0x12: {  	s1 =	sld [smem:$0x3F9B];
	s0 =	simm.s32 @p0 $0x1  }
0x13: {  	[smem:$0x3FB6] =	sst s0;
	s0 =	simm.s32 @!p1 $0x0  }
0x14: {  	s2 =	sld [smem:$0x3F9A];
	s0 =	simm.s32 @p1 $0x1  }
0x15: {  	[smem:$0x3FB7] =	sst s0;
	s0 =	simm.s32 @!p2 $0x0  }
0x16: {  	s3 =	sld [smem:$0x3FDB];
	s0 =	simm.s32 @p2 $0x1  }
0x17: {  	s4 =	simm.s32 $0x1BF5;
	[smem:$0x3FB9] =	sst s0  }
0x18: {  	s0 =	sld [smem:$0x3F9C];
	_ =	swait.ge [sflag:s4], $0x0  }
0x19: {  	s7 =	sld [smem:$0x3F9D]  }
0x1a: {  	s8 =	sadd.s32 $0xFFFFE003, lr  }
0x1b: {  	s9 =	sadd.s32 $0xFFFFFEF7, lr;
	s5 =	simm.s32 $0xFFFFFFFF;
	p2 =	slt.u32 s8, $0xFFFFF086  }
0x1c: {  	p1 =	slt.u32 s9, $0xF7A;
	s5 =	simm.s32 @!p2 $0x0  }
0x1d: {  	s5 =	simm.s32 @p1 $0x1;
	p0 =	seq.s32 s7, s2  }
0x1e: {  	s7 =	smul.u32 @!p0 $0xF7A, s2;
	p2 =	seq.s32 @!p0 s5, $0x0  }
0x1f: {  	s9 =	smul.u32 $0xF7A, s1;
	s8 =	simm.s32 @!p0 $0x1BF5;
	p2 =	por !p2, p0  }
0x20: {  	[sflag:s8] =	ssyncset.s32 @!p0 $0xFFFFF086;
	s6 =	sadd.s32 @!p0 s3, s7;
	s7 =	simm.s32 @!p0 $0x108  }
0x21: {  	s3 =	sadd.s32 s3, s9;
	s6 =	sadd.s32 @!p0 $0x88, s6;
	s7 =	simm.s32 @p2 $0x1082  }
0x22: {  	[simem:s7], [sflag:s8] =	dma.local @!p0 [hbm:s6], $0xF7A  }
0x23: {  	s9 =	sor.u32 $0xD0000000, s2;
	s6 =	simm.s32 $0x108;
	_ =	swait.ge @!p0 [sflag:s8], $0x0  }
0x24: {  	s3 =	sadd.s32 $0x88, s3;
	s6 =	simm.s32 @!p1 $0x1082;
	[sflag:s4] =	ssyncset.s32 $0xFFFFF086  }
0x25: {  	[simem:s6], [sflag:s4] =	dma.local [hbm:s3], $0xF7A  }
0x26: {  	[smem:$0x3F9D] =	sst s1;
	(tag) =	ssettag s2;
	_ =	strace s9  }
0x27: {  	s1 =	sld [smem:$0x3FAD]  }
0x28: {  	s2 =	sld [smem:$0x3FAE]  }
0x29: {  	s4 =	sld [smem:$0x3FB0]  }
0x2a: {  	p0 =	seq.s32 s5, $0x0;
	s5 =	sld [smem:$0x3FB1]  }
0x2b: {  	s6 =	sld [smem:$0x3FB2]  }
0x2c: {  	s7 =	sld [smem:$0x3FB3]  }
0x2d: {  	s3 =	simm.s32 $0x108;
	s8 =	sld [smem:$0x3FB4]  }
0x2e: {  	s3 =	simm.s32 @!p0 $0x1082;
	s9 =	sld [smem:$0x3FB5]  }
0x2f: {  	lr =	sadd.s32 s0, s3;
	s0 =	sld [smem:$0x3FAC]  }
0x30: {  	s3 =	sld [smem:$0x3FAF]  }
0x31: {  	[smem:$0x3FB8] =	sst s10  }
0x32: {  	s10 =	sld [smem:$0x3FB6];
	_ =	sdelay $0x3  }
0x33: {  	p0 =	seq.s32 s10, $0x1;
	s10 =	sld [smem:$0x3FB8];
	_ =	sdelay $0x3  }
0x34: {  	[smem:$0x3FB8] =	sst s10  }
0x35: {  	s10 =	sld [smem:$0x3FB7];
	_ =	sdelay $0x3  }
0x36: {  	p1 =	seq.s32 s10, $0x1;
	s10 =	sld [smem:$0x3FB8];
	_ =	sdelay $0x3  }
0x37: {  	[smem:$0x3FB8] =	sst s10  }
0x38: {  	s10 =	sld [smem:$0x3FB9]  }
0x39: {  	_ = 	snop;
	(pc) =	sbr.ind lr, $3  }
0x3a: {  	_ = 	snop  }
0x3b: {  	_ = 	snop  }
0x3c: {  	p2 =	seq.s32 s10, $0x1;
	s10 =	sld [smem:$0x3FB8]  }
0x3d: {  	_ =	shalt  }
0x3e: {  	_ =	shalt  }
0x3f: {  	_ =	shalt  }
0x40: {  	_ =	shalt  }
0x41: {  	_ =	shalt  }
0x42: {  	_ =	shalt  }
0x43: {  	_ =	shalt  }
0x44: {  	_ =	shalt  }
0x45: {  	_ =	shalt  }
0x46: {  	_ =	shalt  }
0x47: {  	_ =	shalt  }
0x48: {  	_ =	shalt  }
0x49: {  	_ =	shalt  }
0x4a: {  	_ =	shalt  }
0x4b: {  	_ =	shalt  }
0x4c: {  	_ =	shalt  }
0x4d: {  	_ =	shalt  }
0x4e: {  	_ =	shalt  }
0x4f: {  	_ =	shalt  }
0x50: {  	_ =	shalt  }
0x51: {  	_ =	shalt  }
0x52: {  	_ =	shalt  }
0x53: {  	_ =	shalt  }
0x54: {  	_ =	shalt  }
0x55: {  	_ =	shalt  }
0x56: {  	_ =	shalt  }
0x57: {  	_ =	shalt  }
0x58: {  	_ =	shalt  }
0x59: {  	_ =	shalt  }
0x5a: {  	_ =	shalt  }
0x5b: {  	_ =	shalt  }
0x5c: {  	_ =	shalt  }
0x5d: {  	_ =	shalt  }
0x5e: {  	_ =	shalt  }
0x5f: {  	_ =	shalt  }
0x60: {  	_ =	shalt  }
0x61: {  	_ =	shalt  }
0x62: {  	_ =	shalt  }
0x63: {  	_ =	shalt  }
0x64: {  	_ =	shalt  }
0x65: {  	_ =	shalt  }
0x66: {  	_ =	shalt  }
0x67: {  	_ =	shalt  }
0x68: {  	_ =	shalt  }
0x69: {  	_ =	shalt  }
0x6a: {  	_ =	shalt  }
0x6b: {  	_ =	shalt  }
0x6c: {  	_ =	shalt  }
0x6d: {  	_ =	shalt  }
0x6e: {  	_ =	shalt  }
0x6f: {  	_ =	shalt  }
0x70: {  	_ =	shalt  }
0x71: {  	_ =	shalt  }
0x72: {  	_ =	shalt  }
0x73: {  	_ =	shalt  }
0x74: {  	_ =	shalt  }
0x75: {  	_ =	shalt  }
0x76: {  	_ =	shalt  }
0x77: {  	_ =	shalt  }
0x78: {  	_ =	shalt  }
0x79: {  	_ =	shalt  }
0x7a: {  	_ =	shalt  }
0x7b: {  	_ =	shalt  }
0x7c: {  	_ =	shalt  }
0x7d: {  	_ =	shalt  }
0x7e: {  	_ =	shalt  }
0x7f: {  	_ =	shalt  }
0x80: {  	_ =	shalt  }
0x81: {  	_ =	shalt  }
0x82: {  	_ =	shalt  }
0x83: {  	_ =	shalt  }
0x84: {  	_ =	shalt  }
0x85: {  	_ =	shalt  }
0x86: {  	_ =	shalt  }
0x87: {  	_ =	shalt  }
.Lfunc_end0:
.L_simem_size_0:
called_computation.1_lowered:
.L_overlay_start_0:
0x88: {  	s2 =	sld [smem:$0x3FD9]  }
0x89: {  	s3 =	sld [smem:$0x3FFE];
	_ =	sdelay $0x1  }
0x8a: {  	s1 =	srdreg.scid  }
0x8b: {  	s0 =	sand.u32 $0x1, s1  }
0x8c: {  	s17 =	sshll.u32 s0, $0xA;
	s2 =	sadd.s32 s3, s2  }
0x8d: {  	s2 =	sadd.s32 s2, s17  }
0x8e: {  	[smem:$0x3FC4] =	sst s2  }
0x8f: {  	_ = 	snop  }
0x90: {  	s2 =	sld [smem:$0x3FD0];
	(tm) =	ssettm $0x1  }
0x91: {  	s18 =	sld [smem:$0x3FFB];
	_ =	sdelay $0x3  }
0x92: {  	_ =	strace s18  }
0x93: {  	s3 =	sld [smem:$0x3FFC];
	_ =	sdelay $0x3  }
0x94: {  	_ =	strace s3  }
0x95: {  	s3 =	sld [smem:$0x3FFD];
	_ =	sdelay $0x3  }
0x96: {  	_ =	strace s3  }
0x97: {  	_ =	strace $0x8FFFFFFF  }
0x98: {  	s19 =	sld [smem:$0x3FDB];
	_ =	sdelay $0x1  }
0x99: {  	s4 =	simm.s32 $_scs_section_size  }
0x9a: {  	s5 =	simm.s32 $_size__tile_overlayer_lowered;
	s6 =	simm.s32 $_tile_overlayer_lowered  }
0x9b: {  	s22 =	simm.s32 $0x1BFF;
	s21 =	sshll.u32 s6, $0x1;
	s3 =	sadd.s32 s4, s19  }
0x9c: {  	s7 =	simm.s32 $0x0;
	s20 =	sshll.u32 s5, $0x1;
	s5 =	sadd.s32 s21, s3  }
0x9d: {  	[timem:s7], [sflag:s22] =	dma.local [hbm:s5], s20  }
0x9e: {  	_ =	swait.ge [sflag:s22], s20  }
0x9f: {  	s4 =	ssub.s32 $0x0, s20;
	[sflag:s22] =	ssyncset.done $0x0  }
0xa0: {  	[sflag:s22] =	ssyncadd.s32 s4;
	_ =	sdelay $0x1  }
0xa1: {  	s23 =	simm.s32 $0x1B8B  }
0xa2: {  	_ =	swait.ge [sflag:s23], $0x1  }
0xa3: {  	[sflag:s23] =	ssyncset.done $0x0  }
0xa4: {  	s25 =	simm.s32 $0x1B8E;
	s24 =	sld [smem:$0x3FFE];
	[sflag:s23] =	ssyncadd.s32 $0xFFFFFFFF  }
0xa5: {  	s26 =	simm.s32 $execute0_lowered;
	[smem:$0x3FD2] =	sst s25  }
0xa6: {  	s5 =	sshll.u32 s26, $0x1;
	_ =	strace $0x80000049;
	[dreg:$0x1] =	wrdreg $0xFFFFFFFF  }
0xa7: {  	s28 =	simm.s32 $_size_execute0_lowered;
	s3 =	sadd.s32 s3, s5;
	[dreg:$0x0] =	wrdreg $0x0  }
0xa8: {  	s5 =	sshll.u32 s28, $0x1;
	[dreg:$0x2] =	wrdreg s3  }
0xa9: {  	[dreg:$0x3] =	wrdreg s5  }
0xaa: {  	[dreg:$0x4] =	wrdreg $0xC0  }
0xab: {  	_ =	task [dreg:s7], $0x5FFFF  }
0xac: {  	[dreg:$0x1] =	wrdreg $0xFFFFFFFF  }
0xad: {  	[dreg:$0x0] =	wrdreg $0x60  }
0xae: {  	[dreg:$0x2] =	wrdreg s24  }
0xaf: {  	[dreg:$0x3] =	wrdreg s2  }
0xb0: {  	[dreg:$0x4] =	wrdreg $0x9  }
0xb1: {  	_ =	task.clear_ibuf [dreg:s7], $0x5FFFF;
	_ =	strace $0x90000049  }
0xb2: {  	s29 =	simm.s32 $0x9;
	_ =	strace $0x8000004B  }
0xb3: {  	_ =	swait.ge [sflag:s29], $0x1  }
0xb4: {  	[sflag:s29] =	ssyncadd.s32 $0xFFFFFFFF  }
0xb5: {  	_ =	strace $0x9000004B  }
0xb6: {  	_ =	sfence  }
0xb7: {  	s30 =	sld [smem:$0x0];
	_ =	sdelay $0x2  }
0xb8: {  	s31 =	sshll.u32 s1, $0xD;
	s1 =	sshrl.u32 s1, $0x2  }
0xb9: {  	s3 =	sand.u32 $0x4000, s31;
	s1 =	sadd.s32 s1, s30  }
0xba: {  	s0 =	sor.u32 s3, s0;
	s1 =	sshll.u32 s1, $0x11  }
0xbb: {  	s0 =	sor.u32 s1, s0  }
0xbc: {  	s0 =	sadd.s32 $0x8F2B, s0  }
0xbd: {  	[sflag:s0] =	ssyncadd.remote.s32 $0x1  }
0xbe: {  	_ =	sfence.sel $0xFFFF  }
0xbf: {  	[dreg:$0x0] =	wrdreg $0xFFFFFFFF;
	(pc) =	sbr.abs _section_cstart, $3  }
0xc0: {  	[dreg:$0x1] =	wrdreg $0xFFFFFFFF  }
0xc1: {  	_ =	task.clear_ibuf [dreg:s7], $0x2FFFF;
	_ =	strace $0x9FFFFFFF  }
0xc2: {  	(tm) =	ssettm $0x7FFFFFFF  }
0xc3: {  	_ =	shalt  }
tec
execute0_lowered:
.L_overlay_start_1:
0x0: {  	(tag) =	ssettag $0x1  }
0x1: {  	s0 =	rddreg [dreg:$0x0]  }
0x2: {  	s1 =	rddreg [dreg:$0x1];
	s2 =	simm.s32 $0x0  }
0x3: {  	s3 =	srdreg.scid;
	s5 =	stileid.u32;
	s13 =	simm.s32 $0x3  }
0x4: {  	s12 =	simm.s32 $0x12800;
	s14 =	simm.s32 $0x13000;
	s15 =	simm.s32 $0x13800  }
0x5: {  	s16 =	simm.s32 $0x14000;
	s17 =	simm.s32 $0x14800;
	s18 =	simm.s32 $0x15000  }
0x6: {  	s19 =	simm.s32 $0x15800;
	s20 =	simm.s32 $0x16000;
	s21 =	simm.s32 $0x16800  }
0x7: {  	s22 =	simm.s32 $0x17000;
	s23 =	simm.s32 $0x17800;
	s24 =	simm.s32 $0x1  }
0x8: {  	s25 =	simm.s32 $0x2;
	s26 =	simm.s32 $0x0;
	[smem:$0x7FF] =	sst s2  }
0x9: {  	s3 =	sand.u32 $0x1, s3;
	s5 =	sshll.u32 s5, $0x4;
	s8 =	sadd.s32 $0x500, s0  }
0xa: {  	s9 =	sadd.s32 $0x600, s0;
	s4 =	ssub.s32 $0x2, s3;
	s3 =	sshll.u32 s3, $0x3  }
0xb: {  	_ =	strace $0x8000004A;
	s6 =	sshrl.u32 s4, $0x1;
	s7 =	sor.u32 s3, s5  }
0xc: {  	v2 =	vlaneseq.u32;
	s11 =	ssub.s32 s4, s6;
	s4 =	sadd.s32 s0, s7;
	s10 =	smul.u32 $0x300, s7  }
0xd: {  	vm0 =	vmmov $0xffff;
	v1 =	vshrl.u32 v2, $0x3;
	s3 =	sadd.s32 $0x400, s0;
	s5 =	sadd.s32 $0x200, s4;
	s6 =	sadd.s32 $0x8A400, s4  }
0xe: {  	v0 =	vand.u32 $0x7, v2;
	v2 =	vor.u32 $0x8, v2;
	v1 =	vmul.u32 $0x8, v1;
	s7 =	sadd.s32 $0x8A600, s4;
	s11 =	smax.u32 s11, $0x1;
	s10 =	sadd.s32 s1, s10  }
.LBB2_1:
0xf: {  	s0 =	simm.s32 $0x18000  }
0x10: {  	[tilespmem:s0], [sflag:$0x3] =	stream.linear.gather [hbm4b:s4+s2], $0x40, $0x38;
	[tilespmem:$0x18200] =	vst v63  }
0x11: {  	_ =	swait.ge [sflag:s13], $0x40  }
0x12: {  	[sflag:s13] =	ssyncset.done $0x0  }
0x13: {  	s1 =	simm.s32 $0x18080;
	[sflag:s13] =	ssyncadd.s32 $0xFFFFFFC0  }
0x14: {  	[tilespmem:s1], [sflag:$0x3] =	stream.linear.gather [hbm4b:s5+s2], $0x40, $0x38;
	[tilespmem:$0x18200] =	vst v63  }
0x15: {  	_ =	swait.ge [sflag:s13], $0x40  }
0x16: {  	[sflag:s13] =	ssyncset.done $0x0  }
0x17: {  	s1 =	simm.s32 $0x18100;
	[sflag:s13] =	ssyncadd.s32 $0xFFFFFFC0  }
0x18: {  	[tilespmem:s1], [sflag:$0x3] =	stream.linear.gather [hbm4b:s6+s2], $0x40, $0x38;
	[tilespmem:$0x18200] =	vst v63  }
0x19: {  	_ =	swait.ge [sflag:s13], $0x40  }
0x1a: {  	[sflag:s13] =	ssyncset.done $0x0  }
0x1b: {  	s1 =	simm.s32 $0x18180;
	[sflag:s13] =	ssyncadd.s32 $0xFFFFFFC0  }
0x1c: {  	[tilespmem:s1], [sflag:$0x3] =	stream.linear.gather [hbm4b:s7+s2], $0x40, $0x38;
	[tilespmem:$0x18200] =	vst v63  }
0x1d: {  	_ =	swait.ge [sflag:s13], $0x40  }
0x1e: {  	[sflag:s13] =	ssyncset.done $0x0  }
0x1f: {  	[sflag:s13] =	ssyncadd.s32 $0xFFFFFFC0  }
0x20: {  	v3 =	vld [tilespmem:$0x18000];
	_ =	sdelay $0x4  }
0x21: {  	v4 =	vshrl.u32 v3, $0x3  }
0x22: {  	v4 =	vmul.u32 $0x30, v4  }
0x23: {  	v3 =	vand.u32 $0x7, v3  }
0x24: {  	v3 =	vor.u32 v3, v4  }
0x25: {  	v4 =	vperm.xlane v3, v0;
	_ =	sdelay $0x1  }
0x26: {  	v4 =	vadd.s32 v1, v4;
	_ =	sdelay $0x3  }
0x27: {  	v3 =	vperm.xlane v3, v2  }
0x28: {  	[tilespmem:s2], [sflag:$0x1] =	stream.indirect_vreg.gather [hbm4b:s3+s2], $0x80, v4, vm0, $0xb8;
	[tilespmem:$0x18200] =	vst v63  }
0x29: {  	s1 =	simm.s32 $0x800;
	v3 =	vadd.s32 v1, v3  }
0x2a: {  	[tilespmem:s1], [sflag:$0x1] =	stream.indirect_vreg.gather [hbm4b:s8+s2], $0x80, v4, vm0, $0xb8;
	[tilespmem:$0x18200] =	vst v63  }
0x2b: {  	s1 =	simm.s32 $0x1000  }
0x2c: {  	[tilespmem:s1], [sflag:$0x1] =	stream.indirect_vreg.gather [hbm4b:s9+s2], $0x80, v4, vm0, $0xb8;
	[tilespmem:$0x18200] =	vst v63  }
0x2d: {  	s1 =	simm.s32 $0x1800  }
0x2e: {  	[tilespmem:s1], [sflag:$0x1] =	stream.indirect_vreg.gather [hbm4b:s3+s2], $0x80, v3, vm0, $0xb8;
	[tilespmem:$0x18200] =	vst v63  }
0x2f: {  	s1 =	simm.s32 $0x2000  }
0x30: {  	[tilespmem:s1], [sflag:$0x1] =	stream.indirect_vreg.gather [hbm4b:s8+s2], $0x80, v3, vm0, $0xb8;
	[tilespmem:$0x18200] =	vst v63  }
0x31: {  	s1 =	simm.s32 $0x2800  }
0x32: {  	[tilespmem:s1], [sflag:$0x1] =	stream.indirect_vreg.gather [hbm4b:s9+s2], $0x80, v3, vm0, $0xb8;
	[tilespmem:$0x18200] =	vst v63  }
0x33: {  	v3 =	vld [tilespmem:$0x18010];
	_ =	sdelay $0x4  }
0x34: {  	v4 =	vshrl.u32 v3, $0x3  }
0x35: {  	v4 =	vmul.u32 $0x30, v4  }
0x36: {  	v3 =	vand.u32 $0x7, v3  }
0x37: {  	v3 =	vor.u32 v3, v4  }
0x38: {  	v4 =	vperm.xlane v3, v0;
	_ =	sdelay $0x1  }
0x39: {  	v4 =	vadd.s32 v1, v4;
	_ =	sdelay $0x3  }
0x3a: {  	s1 =	simm.s32 $0x3000;
	v3 =	vperm.xlane v3, v2  }
0x3b: {  	[tilespmem:s1], [sflag:$0x1] =	stream.indirect_vreg.gather [hbm4b:s3+s2], $0x80, v4, vm0, $0xb8;
	[tilespmem:$0x18200] =	vst v63  }
0x3c: {  	v3 =	vadd.s32 v1, v3;
	s1 =	simm.s32 $0x3800  }
0x3d: {  	[tilespmem:s1], [sflag:$0x1] =	stream.indirect_vreg.gather [hbm4b:s8+s2], $0x80, v4, vm0, $0xb8;
	[tilespmem:$0x18200] =	vst v63  }
0x3e: {  	s1 =	simm.s32 $0x4000  }
0x3f: {  	[tilespmem:s1], [sflag:$0x1] =	stream.indirect_vreg.gather [hbm4b:s9+s2], $0x80, v4, vm0, $0xb8;
	[tilespmem:$0x18200] =	vst v63  }
0x40: {  	s1 =	simm.s32 $0x4800  }
0x41: {  	[tilespmem:s1], [sflag:$0x1] =	stream.indirect_vreg.gather [hbm4b:s3+s2], $0x80, v3, vm0, $0xb8;
	[tilespmem:$0x18200] =	vst v63  }
0x42: {  	s1 =	simm.s32 $0x5000  }
0x43: {  	[tilespmem:s1], [sflag:$0x1] =	stream.indirect_vreg.gather [hbm4b:s8+s2], $0x80, v3, vm0, $0xb8;
	[tilespmem:$0x18200] =	vst v63  }
0x44: {  	s1 =	simm.s32 $0x5800  }
0x45: {  	[tilespmem:s1], [sflag:$0x1] =	stream.indirect_vreg.gather [hbm4b:s9+s2], $0x80, v3, vm0, $0xb8;
	[tilespmem:$0x18200] =	vst v63  }
0x46: {  	v3 =	vld [tilespmem:$0x18020];
	_ =	sdelay $0x4  }
0x47: {  	v4 =	vshrl.u32 v3, $0x3  }
0x48: {  	v4 =	vmul.u32 $0x30, v4  }
0x49: {  	v3 =	vand.u32 $0x7, v3  }
0x4a: {  	v3 =	vor.u32 v3, v4  }
0x4b: {  	v4 =	vperm.xlane v3, v0;
	_ =	sdelay $0x1  }
0x4c: {  	v4 =	vadd.s32 v1, v4;
	_ =	sdelay $0x3  }
0x4d: {  	s1 =	simm.s32 $0x6000;
	v3 =	vperm.xlane v3, v2  }
0x4e: {  	[tilespmem:s1], [sflag:$0x1] =	stream.indirect_vreg.gather [hbm4b:s3+s2], $0x80, v4, vm0, $0xb8;
	[tilespmem:$0x18200] =	vst v63  }
0x4f: {  	v3 =	vadd.s32 v1, v3;
	s1 =	simm.s32 $0x6800  }
0x50: {  	[tilespmem:s1], [sflag:$0x1] =	stream.indirect_vreg.gather [hbm4b:s8+s2], $0x80, v4, vm0, $0xb8;
	[tilespmem:$0x18200] =	vst v63  }
0x51: {  	s1 =	simm.s32 $0x7000  }
0x52: {  	[tilespmem:s1], [sflag:$0x1] =	stream.indirect_vreg.gather [hbm4b:s9+s2], $0x80, v4, vm0, $0xb8;
	[tilespmem:$0x18200] =	vst v63  }
0x53: {  	s1 =	simm.s32 $0x7800  }
0x54: {  	[tilespmem:s1], [sflag:$0x1] =	stream.indirect_vreg.gather [hbm4b:s3+s2], $0x80, v3, vm0, $0xb8;
	[tilespmem:$0x18200] =	vst v63  }
0x55: {  	s1 =	simm.s32 $0x8000  }
0x56: {  	[tilespmem:s1], [sflag:$0x1] =	stream.indirect_vreg.gather [hbm4b:s8+s2], $0x80, v3, vm0, $0xb8;
	[tilespmem:$0x18200] =	vst v63  }
0x57: {  	s1 =	simm.s32 $0x8800  }
0x58: {  	[tilespmem:s1], [sflag:$0x1] =	stream.indirect_vreg.gather [hbm4b:s9+s2], $0x80, v3, vm0, $0xb8;
	[tilespmem:$0x18200] =	vst v63  }
0x59: {  	v3 =	vld [tilespmem:$0x18030];
	_ =	sdelay $0x4  }
0x5a: {  	v4 =	vshrl.u32 v3, $0x3  }
0x5b: {  	v4 =	vmul.u32 $0x30, v4  }
0x5c: {  	v3 =	vand.u32 $0x7, v3  }
0x5d: {  	v3 =	vor.u32 v3, v4  }
0x5e: {  	v4 =	vperm.xlane v3, v0;
	_ =	sdelay $0x1  }
0x5f: {  	v4 =	vadd.s32 v1, v4;
	_ =	sdelay $0x3  }
0x60: {  	s1 =	simm.s32 $0x9000;
	v3 =	vperm.xlane v3, v2  }
0x61: {  	[tilespmem:s1], [sflag:$0x1] =	stream.indirect_vreg.gather [hbm4b:s3+s2], $0x80, v4, vm0, $0xb8;
	[tilespmem:$0x18200] =	vst v63  }
0x62: {  	v3 =	vadd.s32 v1, v3;
	s1 =	simm.s32 $0x9800  }
0x63: {  	[tilespmem:s1], [sflag:$0x1] =	stream.indirect_vreg.gather [hbm4b:s8+s2], $0x80, v4, vm0, $0xb8;
	[tilespmem:$0x18200] =	vst v63  }
0x64: {  	s1 =	simm.s32 $0xA000  }
0x65: {  	[tilespmem:s1], [sflag:$0x1] =	stream.indirect_vreg.gather [hbm4b:s9+s2], $0x80, v4, vm0, $0xb8;
	[tilespmem:$0x18200] =	vst v63  }
0x66: {  	s1 =	simm.s32 $0xA800  }
0x67: {  	[tilespmem:s1], [sflag:$0x1] =	stream.indirect_vreg.gather [hbm4b:s3+s2], $0x80, v3, vm0, $0xb8;
	[tilespmem:$0x18200] =	vst v63  }
0x68: {  	s1 =	simm.s32 $0xB000  }
0x69: {  	[tilespmem:s1], [sflag:$0x1] =	stream.indirect_vreg.gather [hbm4b:s8+s2], $0x80, v3, vm0, $0xb8;
	[tilespmem:$0x18200] =	vst v63  }
0x6a: {  	s1 =	simm.s32 $0xB800  }
0x6b: {  	[tilespmem:s1], [sflag:$0x1] =	stream.indirect_vreg.gather [hbm4b:s9+s2], $0x80, v3, vm0, $0xb8;
	[tilespmem:$0x18200] =	vst v63  }
0x6c: {  	v3 =	vld [tilespmem:$0x18080];
	_ =	sdelay $0x4  }
0x6d: {  	v4 =	vshrl.u32 v3, $0x3  }
0x6e: {  	v4 =	vmul.u32 $0x30, v4  }
0x6f: {  	v3 =	vand.u32 $0x7, v3  }
0x70: {  	v3 =	vor.u32 v3, v4  }
0x71: {  	v4 =	vperm.xlane v3, v0;
	_ =	sdelay $0x1  }
0x72: {  	v4 =	vadd.s32 v1, v4;
	_ =	sdelay $0x3  }
0x73: {  	s1 =	simm.s32 $0xC000;
	v3 =	vperm.xlane v3, v2  }
0x74: {  	[tilespmem:s1], [sflag:$0x2] =	stream.indirect_vreg.gather [hbm4b:s3+s2], $0x80, v4, vm0, $0xb8;
	[tilespmem:$0x18200] =	vst v63  }
0x75: {  	v3 =	vadd.s32 v1, v3;
	s1 =	simm.s32 $0xC800  }
0x76: {  	[tilespmem:s1], [sflag:$0x2] =	stream.indirect_vreg.gather [hbm4b:s8+s2], $0x80, v4, vm0, $0xb8;
	[tilespmem:$0x18200] =	vst v63  }
0x77: {  	s1 =	simm.s32 $0xD000  }
0x78: {  	[tilespmem:s1], [sflag:$0x2] =	stream.indirect_vreg.gather [hbm4b:s9+s2], $0x80, v4, vm0, $0xb8;
	[tilespmem:$0x18200] =	vst v63  }
0x79: {  	s1 =	simm.s32 $0xD800  }
0x7a: {  	[tilespmem:s1], [sflag:$0x2] =	stream.indirect_vreg.gather [hbm4b:s3+s2], $0x80, v3, vm0, $0xb8;
	[tilespmem:$0x18200] =	vst v63  }
0x7b: {  	s1 =	simm.s32 $0xE000  }
0x7c: {  	[tilespmem:s1], [sflag:$0x2] =	stream.indirect_vreg.gather [hbm4b:s8+s2], $0x80, v3, vm0, $0xb8;
	[tilespmem:$0x18200] =	vst v63  }
0x7d: {  	s1 =	simm.s32 $0xE800  }
0x7e: {  	[tilespmem:s1], [sflag:$0x2] =	stream.indirect_vreg.gather [hbm4b:s9+s2], $0x80, v3, vm0, $0xb8;
	[tilespmem:$0x18200] =	vst v63  }
0x7f: {  	v3 =	vld [tilespmem:$0x18090];
	_ =	sdelay $0x4  }
0x80: {  	v4 =	vshrl.u32 v3, $0x3  }
0x81: {  	v4 =	vmul.u32 $0x30, v4  }
0x82: {  	v3 =	vand.u32 $0x7, v3  }
0x83: {  	v3 =	vor.u32 v3, v4  }
0x84: {  	v4 =	vperm.xlane v3, v0;
	_ =	sdelay $0x1  }
0x85: {  	v4 =	vadd.s32 v1, v4;
	_ =	sdelay $0x3  }
0x86: {  	s1 =	simm.s32 $0xF000;
	v3 =	vperm.xlane v3, v2  }
0x87: {  	[tilespmem:s1], [sflag:$0x2] =	stream.indirect_vreg.gather [hbm4b:s3+s2], $0x80, v4, vm0, $0xb8;
	[tilespmem:$0x18200] =	vst v63  }
0x88: {  	v3 =	vadd.s32 v1, v3;
	s1 =	simm.s32 $0xF800  }
0x89: {  	[tilespmem:s1], [sflag:$0x2] =	stream.indirect_vreg.gather [hbm4b:s8+s2], $0x80, v4, vm0, $0xb8;
	[tilespmem:$0x18200] =	vst v63  }
0x8a: {  	s1 =	simm.s32 $0x10000  }
0x8b: {  	[tilespmem:s1], [sflag:$0x2] =	stream.indirect_vreg.gather [hbm4b:s9+s2], $0x80, v4, vm0, $0xb8;
	[tilespmem:$0x18200] =	vst v63  }
0x8c: {  	s1 =	simm.s32 $0x10800  }
0x8d: {  	[tilespmem:s1], [sflag:$0x2] =	stream.indirect_vreg.gather [hbm4b:s3+s2], $0x80, v3, vm0, $0xb8;
	[tilespmem:$0x18200] =	vst v63  }
0x8e: {  	s1 =	simm.s32 $0x11000  }
0x8f: {  	[tilespmem:s1], [sflag:$0x2] =	stream.indirect_vreg.gather [hbm4b:s8+s2], $0x80, v3, vm0, $0xb8;
	[tilespmem:$0x18200] =	vst v63  }
0x90: {  	s1 =	simm.s32 $0x11800  }
0x91: {  	[tilespmem:s1], [sflag:$0x2] =	stream.indirect_vreg.gather [hbm4b:s9+s2], $0x80, v3, vm0, $0xb8;
	[tilespmem:$0x18200] =	vst v63  }
0x92: {  	v3 =	vld [tilespmem:$0x180A0];
	_ =	sdelay $0x4  }
0x93: {  	v4 =	vshrl.u32 v3, $0x3  }
0x94: {  	v4 =	vmul.u32 $0x30, v4  }
0x95: {  	v3 =	vand.u32 $0x7, v3  }
0x96: {  	v3 =	vor.u32 v3, v4  }
0x97: {  	v4 =	vperm.xlane v3, v0;
	_ =	sdelay $0x1  }
0x98: {  	v4 =	vadd.s32 v1, v4;
	_ =	sdelay $0x3  }
0x99: {  	s1 =	simm.s32 $0x12000;
	v3 =	vperm.xlane v3, v2  }
0x9a: {  	[tilespmem:s1], [sflag:$0x2] =	stream.indirect_vreg.gather [hbm4b:s3+s2], $0x80, v4, vm0, $0xb8;
	[tilespmem:$0x18200] =	vst v63  }
0x9b: {  	v3 =	vadd.s32 v1, v3  }
0x9c: {  	[tilespmem:s12], [sflag:$0x2] =	stream.indirect_vreg.gather [hbm4b:s8+s2], $0x80, v4, vm0, $0xb8;
	[tilespmem:$0x18200] =	vst v63  }
0x9d: {  	_ = 	snop  }
0x9e: {  	[tilespmem:s14], [sflag:$0x2] =	stream.indirect_vreg.gather [hbm4b:s9+s2], $0x80, v4, vm0, $0xb8;
	[tilespmem:$0x18200] =	vst v63  }
0x9f: {  	_ = 	snop  }
0xa0: {  	[tilespmem:s15], [sflag:$0x2] =	stream.indirect_vreg.gather [hbm4b:s3+s2], $0x80, v3, vm0, $0xb8;
	[tilespmem:$0x18200] =	vst v63  }
0xa1: {  	_ = 	snop  }
0xa2: {  	[tilespmem:s16], [sflag:$0x2] =	stream.indirect_vreg.gather [hbm4b:s8+s2], $0x80, v3, vm0, $0xb8;
	[tilespmem:$0x18200] =	vst v63  }
0xa3: {  	_ = 	snop  }
0xa4: {  	[tilespmem:s17], [sflag:$0x2] =	stream.indirect_vreg.gather [hbm4b:s9+s2], $0x80, v3, vm0, $0xb8;
	[tilespmem:$0x18200] =	vst v63  }
0xa5: {  	v3 =	vld [tilespmem:$0x180B0];
	_ =	sdelay $0x4  }
0xa6: {  	v4 =	vshrl.u32 v3, $0x3  }
0xa7: {  	v4 =	vmul.u32 $0x30, v4  }
0xa8: {  	v3 =	vand.u32 $0x7, v3  }
0xa9: {  	v3 =	vor.u32 v3, v4  }
0xaa: {  	v4 =	vperm.xlane v3, v0;
	_ =	sdelay $0x1  }
0xab: {  	v4 =	vadd.s32 v1, v4;
	_ =	sdelay $0x3  }
0xac: {  	v3 =	vperm.xlane v3, v2  }
0xad: {  	[tilespmem:s18], [sflag:$0x2] =	stream.indirect_vreg.gather [hbm4b:s3+s2], $0x80, v4, vm0, $0xb8;
	[tilespmem:$0x18200] =	vst v63  }
0xae: {  	v3 =	vadd.s32 v1, v3  }
0xaf: {  	[tilespmem:s19], [sflag:$0x2] =	stream.indirect_vreg.gather [hbm4b:s8+s2], $0x80, v4, vm0, $0xb8;
	[tilespmem:$0x18200] =	vst v63  }
0xb0: {  	_ = 	snop  }
0xb1: {  	[tilespmem:s20], [sflag:$0x2] =	stream.indirect_vreg.gather [hbm4b:s9+s2], $0x80, v4, vm0, $0xb8;
	[tilespmem:$0x18200] =	vst v63  }
0xb2: {  	_ = 	snop  }
0xb3: {  	[tilespmem:s21], [sflag:$0x2] =	stream.indirect_vreg.gather [hbm4b:s3+s2], $0x80, v3, vm0, $0xb8;
	[tilespmem:$0x18200] =	vst v63  }
0xb4: {  	_ = 	snop  }
0xb5: {  	[tilespmem:s22], [sflag:$0x2] =	stream.indirect_vreg.gather [hbm4b:s8+s2], $0x80, v3, vm0, $0xb8;
	[tilespmem:$0x18200] =	vst v63  }
0xb6: {  	_ = 	snop  }
0xb7: {  	[tilespmem:s23], [sflag:$0x2] =	stream.indirect_vreg.gather [hbm4b:s9+s2], $0x80, v3, vm0, $0xb8;
	[tilespmem:$0x18200] =	vst v63  }
0xb8: {  	_ =	swait.ge [sflag:s24], $0xC000  }
0xb9: {  	[sflag:s24] =	ssyncset.done $0x0  }
0xba: {  	s1 =	simm.s32 $0x0;
	[sflag:s24] =	ssyncadd.s32 $0xFFFF4000  }
0xbb: {  	s0 =	smul.u32 $0x1800, s1;
	_ =	swait.ge [sflag:s25], $0xC000  }
0xbc: {  	s28 =	sand.u32 $0x380, s2;
	[sflag:s25] =	ssyncset.done $0x0  }
0xbd: {  	s28 =	sor.u32 s28, s0;
	[sflag:s25] =	ssyncadd.s32 $0xFFFF4000  }
0xbe: {  	v3 =	vld [tilespmem:s28+$0xC000]  }
0xbf: {  	v4 =	vld [tilespmem:s28+$0x10]  }
0xc0: {  	v5 =	vld [tilespmem:s28+$0xC010]  }
0xc1: {  	v6 =	vld [tilespmem:s28+$0x20]  }
0xc2: {  	v7 =	vld [tilespmem:s28+$0xC020]  }
0xc3: {  	v8 =	vld [tilespmem:s28+$0x30]  }
0xc4: {  	v9 =	vld [tilespmem:s28+$0xC030]  }
0xc5: {  	v10 =	vld [tilespmem:s28+$0x40]  }
0xc6: {  	v11 =	vld [tilespmem:s28+$0xC040]  }
0xc7: {  	v12 =	vld [tilespmem:s28+$0x50]  }
0xc8: {  	v13 =	vld [tilespmem:s28+$0x60]  }
0xc9: {  	v14 =	vld [tilespmem:s28+$0x70]  }
0xca: {  	v15 =	vld [tilespmem:s28+$0x400]  }
0xcb: {  	v16 =	vld [tilespmem:s28+$0x410]  }
0xcc: {  	v17 =	vld [tilespmem:s28+$0x420]  }
0xcd: {  	v18 =	vld [tilespmem:s28+$0x430]  }
0xce: {  	v19 =	vld [tilespmem:s28+$0x440]  }
0xcf: {  	v20 =	vld [tilespmem:s28+$0x450]  }
0xd0: {  	v21 =	vld [tilespmem:s28+$0x460]  }
0xd1: {  	v22 =	vld [tilespmem:s28+$0x470]  }
0xd2: {  	v23 =	vld [tilespmem:s28+$0x800]  }
0xd3: {  	v24 =	vld [tilespmem:s28+$0x810]  }
0xd4: {  	v25 =	vld [tilespmem:s28+$0x820]  }
0xd5: {  	v26 =	vld [tilespmem:s28+$0x830]  }
0xd6: {  	v27 =	vld [tilespmem:s28+$0x840]  }
0xd7: {  	v28 =	vld [tilespmem:s28+$0x850]  }
0xd8: {  	v29 =	vld [tilespmem:s28+$0x860]  }
0xd9: {  	v30 =	vld [tilespmem:s28+$0x870]  }
0xda: {  	v31 =	vld [tilespmem:s28+$0xC00]  }
0xdb: {  	v32 =	vld [tilespmem:s28+$0xC10]  }
0xdc: {  	v35 =	vld [tilespmem:s28+$0xC20]  }
0xdd: {  	v36 =	vld [tilespmem:s28+$0xC30]  }
0xde: {  	v37 =	vld [tilespmem:s28+$0xC40]  }
0xdf: {  	v38 =	vld [tilespmem:s28+$0xC50]  }
0xe0: {  	v39 =	vld [tilespmem:s28+$0xC60]  }
0xe1: {  	v40 =	vld [tilespmem:s28+$0xC70]  }
0xe2: {  	v41 =	vld [tilespmem:s28+$0x1000]  }
0xe3: {  	v42 =	vld [tilespmem:s28+$0x1010]  }
0xe4: {  	v43 =	vld [tilespmem:s28+$0x1020]  }
0xe5: {  	v44 =	vld [tilespmem:s28+$0x1030]  }
0xe6: {  	v45 =	vld [tilespmem:s28+$0x1040]  }
0xe7: {  	v46 =	vld [tilespmem:s28+$0x1050]  }
0xe8: {  	v47 =	vld [tilespmem:s28+$0x1060]  }
0xe9: {  	v48 =	vld [tilespmem:s28+$0x1070]  }
0xea: {  	v49 =	vld [tilespmem:s28+$0x1400]  }
0xeb: {  	s30 =	simm.s32 $0x1;
	v50 =	vld [tilespmem:s28+$0x1410]  }
0xec: {  	s29 =	simm.s32 $0x0;
	s31 =	simm.s32 $0x0;
	s0 =	sand.u32 $0x30, s2;
	v51 =	vld [tilespmem:s28+$0xD420]  }
.LBB2_2:
0xed: {  	p0 =	sne.s32 s30, $0x3F;
	v33 =	vld [tilespmem:s0+$0x18100]  }
0xee: {  	v34 =	vld [tilespmem:s0+$0x18180]  }
0xef: {  	v52 =	vmov s29;
	s29 =	smov.u32 s30;
	v53 =	vld [tilespmem:s28+$0xD430]  }
0xf0: {  	v52 =	vand.u32 $0xF, v52;
	v54 =	vld [tilespmem:s28+$0x1430]  }
0xf1: {  	v52 =	vbroadcast v52, $0x0;
	v55 =	vld [tilespmem:s28+$0x1420]  }
0xf2: {  	v56 =	vld [tilespmem:s28+$0xD410]  }
0xf3: {  	v33 =	vperm.xlane v33, v52;
	v34 =	vperm.xlane v34, v52;
	v52 =	vld [tilespmem:s28+$0xD400]  }
0xf4: {  	v57 =	vld [tilespmem:s28+$0xD070]  }
0xf5: {  	v58 =	vld [tilespmem:s28+$0xD060];
	v54 =	vmul.f32 v54, v33;
	v53 =	vmul.f32 v53, v34  }
0xf6: {  	v51 =	vmul.f32 v51, v34;
	v59 =	vld [tilespmem:s28+$0xD050];
	v55 =	vmul.f32 v55, v33  }
0xf7: {  	v50 =	vmul.f32 v50, v33;
	v60 =	vld [tilespmem:s28+$0xD040];
	v56 =	vmul.f32 v56, v34;
	v53 =	vadd.f32 v53, v54  }
0xf8: {  	v49 =	vmul.f32 v49, v33;
	v54 =	vld [tilespmem:s28+$0xD030];
	v52 =	vmul.f32 v52, v34;
	v51 =	vadd.f32 v51, v55  }
0xf9: {  	v48 =	vmul.f32 v48, v33;
	v55 =	vld [tilespmem:s28+$0xD020];
	v57 =	vmul.f32 v57, v34;
	v50 =	vadd.f32 v56, v50;
	[tilespmem:s28+$0x1430] =	vst v53  }
0xfa: {  	v47 =	vmul.f32 v47, v33;
	v53 =	vld [tilespmem:s28+$0xD010];
	v56 =	vmul.f32 v58, v34;
	v49 =	vadd.f32 v52, v49;
	[tilespmem:s28+$0x1420] =	vst v51  }
0xfb: {  	v46 =	vmul.f32 v46, v33;
	v51 =	vld [tilespmem:s28+$0xD000];
	v52 =	vmul.f32 v59, v34;
	v48 =	vadd.f32 v57, v48;
	[tilespmem:s28+$0x1410] =	vst v50  }
0xfc: {  	v45 =	vmul.f32 v45, v33;
	v50 =	vld [tilespmem:s28+$0xCC70];
	v57 =	vmul.f32 v60, v34;
	v47 =	vadd.f32 v56, v47;
	[tilespmem:s28+$0x1400] =	vst v49  }
0xfd: {  	v44 =	vmul.f32 v44, v33;
	v49 =	vld [tilespmem:s28+$0xCC60];
	v54 =	vmul.f32 v54, v34;
	v46 =	vadd.f32 v52, v46;
	[tilespmem:s28+$0x1070] =	vst v48  }
0xfe: {  	v43 =	vmul.f32 v43, v33;
	v48 =	vld [tilespmem:s28+$0xCC50];
	v52 =	vmul.f32 v55, v34;
	v45 =	vadd.f32 v57, v45;
	[tilespmem:s28+$0x1060] =	vst v47  }
0xff: {  	v42 =	vmul.f32 v42, v33;
	v47 =	vld [tilespmem:s28+$0xCC40];
	v53 =	vmul.f32 v53, v34;
	v44 =	vadd.f32 v54, v44;
	[tilespmem:s28+$0x1050] =	vst v46  }
0x100: {  	v41 =	vmul.f32 v41, v33;
	v46 =	vld [tilespmem:s28+$0xCC30];
	v51 =	vmul.f32 v51, v34;
	v43 =	vadd.f32 v52, v43;
	[tilespmem:s28+$0x1040] =	vst v45  }
0x101: {  	v40 =	vmul.f32 v40, v33;
	v45 =	vld [tilespmem:s28+$0xCC20];
	v50 =	vmul.f32 v50, v34;
	v42 =	vadd.f32 v53, v42;
	[tilespmem:s28+$0x1030] =	vst v44  }
0x102: {  	v39 =	vmul.f32 v39, v33;
	v44 =	vld [tilespmem:s28+$0xCC10];
	v49 =	vmul.f32 v49, v34;
	v41 =	vadd.f32 v51, v41;
	[tilespmem:s28+$0x1020] =	vst v43  }
0x103: {  	v38 =	vmul.f32 v38, v33;
	v43 =	vld [tilespmem:s28+$0xCC00];
	v48 =	vmul.f32 v48, v34;
	v40 =	vadd.f32 v50, v40;
	[tilespmem:s28+$0x1010] =	vst v42  }
0x104: {  	v37 =	vmul.f32 v37, v33;
	v42 =	vld [tilespmem:s28+$0xC870];
	v47 =	vmul.f32 v47, v34;
	v39 =	vadd.f32 v49, v39;
	[tilespmem:s28+$0x1000] =	vst v41  }
0x105: {  	v36 =	vmul.f32 v36, v33;
	v41 =	vld [tilespmem:s28+$0xC860];
	v46 =	vmul.f32 v46, v34;
	v38 =	vadd.f32 v48, v38;
	[tilespmem:s28+$0xC70] =	vst v40  }
0x106: {  	v35 =	vmul.f32 v35, v33;
	v40 =	vld [tilespmem:s28+$0xC850];
	v45 =	vmul.f32 v45, v34;
	v37 =	vadd.f32 v47, v37;
	[tilespmem:s28+$0xC60] =	vst v39  }
0x107: {  	v32 =	vmul.f32 v32, v33;
	v39 =	vld [tilespmem:s28+$0xC840];
	v44 =	vmul.f32 v44, v34;
	v36 =	vadd.f32 v46, v36;
	[tilespmem:s28+$0xC50] =	vst v38  }
0x108: {  	v31 =	vmul.f32 v31, v33;
	v38 =	vld [tilespmem:s28+$0xC830];
	v43 =	vmul.f32 v43, v34;
	v35 =	vadd.f32 v45, v35;
	[tilespmem:s28+$0xC40] =	vst v37  }
0x109: {  	v30 =	vmul.f32 v30, v33;
	v37 =	vld [tilespmem:s28+$0xC820];
	v42 =	vmul.f32 v42, v34;
	v32 =	vadd.f32 v44, v32;
	[tilespmem:s28+$0xC30] =	vst v36  }
0x10a: {  	v29 =	vmul.f32 v29, v33;
	v36 =	vld [tilespmem:s28+$0xC810];
	v41 =	vmul.f32 v41, v34;
	v31 =	vadd.f32 v43, v31;
	[tilespmem:s28+$0xC20] =	vst v35  }
0x10b: {  	v28 =	vmul.f32 v28, v33;
	v35 =	vld [tilespmem:s28+$0xC800];
	v40 =	vmul.f32 v40, v34;
	v30 =	vadd.f32 v42, v30;
	[tilespmem:s28+$0xC10] =	vst v32  }
0x10c: {  	v27 =	vmul.f32 v27, v33;
	v32 =	vld [tilespmem:s28+$0xC470];
	v39 =	vmul.f32 v39, v34;
	v29 =	vadd.f32 v41, v29;
	[tilespmem:s28+$0xC00] =	vst v31  }
0x10d: {  	v26 =	vmul.f32 v26, v33;
	v31 =	vld [tilespmem:s28+$0xC460];
	v38 =	vmul.f32 v38, v34;
	v28 =	vadd.f32 v40, v28;
	[tilespmem:s28+$0x870] =	vst v30  }
0x10e: {  	v25 =	vmul.f32 v25, v33;
	v30 =	vld [tilespmem:s28+$0xC450];
	v37 =	vmul.f32 v37, v34;
	v27 =	vadd.f32 v39, v27;
	[tilespmem:s28+$0x860] =	vst v29  }
0x10f: {  	v24 =	vmul.f32 v24, v33;
	v29 =	vld [tilespmem:s28+$0xC440];
	v36 =	vmul.f32 v36, v34;
	v26 =	vadd.f32 v38, v26;
	[tilespmem:s28+$0x850] =	vst v28  }
0x110: {  	v23 =	vmul.f32 v23, v33;
	v28 =	vld [tilespmem:s28+$0xC430];
	v35 =	vmul.f32 v35, v34;
	v25 =	vadd.f32 v37, v25;
	[tilespmem:s28+$0x840] =	vst v27  }
0x111: {  	v22 =	vmul.f32 v22, v33;
	v27 =	vld [tilespmem:s28+$0xC420];
	v32 =	vmul.f32 v32, v34;
	v24 =	vadd.f32 v36, v24;
	[tilespmem:s28+$0x830] =	vst v26  }
0x112: {  	v21 =	vmul.f32 v21, v33;
	v26 =	vld [tilespmem:s28+$0xC410];
	v31 =	vmul.f32 v31, v34;
	v23 =	vadd.f32 v35, v23;
	[tilespmem:s28+$0x820] =	vst v25  }
0x113: {  	v20 =	vmul.f32 v20, v33;
	v25 =	vld [tilespmem:s28+$0xC400];
	v30 =	vmul.f32 v30, v34;
	v22 =	vadd.f32 v32, v22;
	[tilespmem:s28+$0x810] =	vst v24  }
0x114: {  	v19 =	vmul.f32 v19, v33;
	v24 =	vld [tilespmem:s28+$0xC070];
	v29 =	vmul.f32 v29, v34;
	v21 =	vadd.f32 v31, v21;
	[tilespmem:s28+$0x800] =	vst v23  }
0x115: {  	v18 =	vmul.f32 v18, v33;
	v23 =	vld [tilespmem:s28+$0xC060];
	v28 =	vmul.f32 v28, v34;
	v20 =	vadd.f32 v30, v20;
	[tilespmem:s28+$0x470] =	vst v22  }
0x116: {  	v17 =	vmul.f32 v17, v33;
	v22 =	vld [tilespmem:s28+$0xC050];
	v27 =	vmul.f32 v27, v34;
	v19 =	vadd.f32 v29, v19;
	[tilespmem:s28+$0x460] =	vst v21  }
0x117: {  	v16 =	vmul.f32 v16, v33;
	v21 =	vmul.f32 v26, v34;
	v18 =	vadd.f32 v28, v18;
	[tilespmem:s28+$0x450] =	vst v20;
	v20 =	vld [tilespmem:s28+$0xD440]  }
0x118: {  	v15 =	vmul.f32 v15, v33;
	v25 =	vmul.f32 v25, v34;
	v17 =	vadd.f32 v27, v17;
	[tilespmem:s28+$0x440] =	vst v19;
	v19 =	vld [tilespmem:s28+$0xD450]  }
0x119: {  	v14 =	vmul.f32 v14, v33;
	v24 =	vmul.f32 v24, v34;
	v16 =	vadd.f32 v21, v16;
	[tilespmem:s28+$0x430] =	vst v18;
	v18 =	vld [tilespmem:s28+$0xD460]  }
0x11a: {  	v13 =	vmul.f32 v13, v33;
	v21 =	vmul.f32 v23, v34;
	v15 =	vadd.f32 v25, v15;
	[tilespmem:s28+$0x420] =	vst v17;
	v17 =	vld [tilespmem:s28+$0xD470]  }
0x11b: {  	v12 =	vmul.f32 v12, v33;
	v22 =	vmul.f32 v22, v34;
	v14 =	vadd.f32 v24, v14;
	[tilespmem:s28+$0x410] =	vst v16;
	v16 =	vld [tilespmem:s28+$0x1440]  }
0x11c: {  	v10 =	vmul.f32 v10, v33;
	v11 =	vmul.f32 v11, v34;
	v13 =	vadd.f32 v21, v13;
	[tilespmem:s28+$0x400] =	vst v15;
	v15 =	vld [tilespmem:s28+$0x1450]  }
0x11d: {  	v8 =	vmul.f32 v8, v33;
	v9 =	vmul.f32 v9, v34;
	v12 =	vadd.f32 v22, v12;
	[tilespmem:s28+$0x70] =	vst v14;
	v14 =	vld [tilespmem:s28+$0x1460]  }
0x11e: {  	v6 =	vmul.f32 v6, v33;
	v7 =	vmul.f32 v7, v34;
	v10 =	vadd.f32 v11, v10;
	[tilespmem:s28+$0x60] =	vst v13;
	v11 =	vld [tilespmem:s28+$0x1470]  }
0x11f: {  	s0 =	sshrl.u32 s30, $0x3;
	v4 =	vmul.f32 v4, v33;
	v5 =	vmul.f32 v5, v34;
	v8 =	vadd.f32 v9, v8;
	v13 =	vld [tilespmem:s28+$0x0];
	[tilespmem:s28+$0x50] =	vst v12  }
0x120: {  	s31 =	sadd.s32 $0x80, s31;
	s0 =	smul.u32 $0x1800, s0;
	v6 =	vadd.f32 v7, v6;
	v9 =	vmul.f32 v20, v34;
	[tilespmem:s28+$0x40] =	vst v10;
	v7 =	vmul.f32 v16, v33  }
0x121: {  	s1 =	sand.u32 $0x380, s31;
	v4 =	vadd.f32 v5, v4;
	[tilespmem:s28+$0x30] =	vst v8;
	v5 =	vmul.f32 v15, v33;
	v8 =	vmul.f32 v19, v34  }
0x122: {  	s0 =	sor.u32 s1, s0;
	[tilespmem:s28+$0x20] =	vst v6;
	v6 =	vadd.f32 v9, v7;
	v7 =	vmul.f32 v14, v33;
	v9 =	vmul.f32 v18, v34  }
0x123: {  	v12 =	vmul.f32 v17, v34;
	v10 =	vld [tilespmem:s0+$0xC000];
	[tilespmem:s28+$0x10] =	vst v4;
	v8 =	vadd.f32 v8, v5;
	v11 =	vmul.f32 v11, v33  }
0x124: {  	v3 =	vmul.f32 v3, v34;
	v4 =	vld [tilespmem:s0+$0x10];
	v13 =	vmul.f32 v13, v33;
	[tilespmem:s28+$0x1440] =	vst v6;
	v7 =	vadd.f32 v9, v7  }
0x125: {  	v5 =	vld [tilespmem:s0+$0xC010];
	[tilespmem:s28+$0x1450] =	vst v8;
	v8 =	vadd.f32 v12, v11  }
0x126: {  	v6 =	vld [tilespmem:s0+$0x20];
	v9 =	vadd.f32 v3, v13;
	[tilespmem:s28+$0x1460] =	vst v7  }
0x127: {  	v7 =	vld [tilespmem:s0+$0xC020];
	[tilespmem:s28+$0x1470] =	vst v8  }
0x128: {  	v8 =	vld [tilespmem:s0+$0x30];
	[tilespmem:s28+$0x0] =	vst v9;
	v3 =	vmov v10;
	s28 =	smov.u32 s0  }
0x129: {  	v9 =	vld [tilespmem:s28+$0xC030]  }
0x12a: {  	v10 =	vld [tilespmem:s28+$0x40]  }
0x12b: {  	v11 =	vld [tilespmem:s28+$0xC040]  }
0x12c: {  	v12 =	vld [tilespmem:s28+$0x50]  }
0x12d: {  	v13 =	vld [tilespmem:s28+$0x60]  }
0x12e: {  	v14 =	vld [tilespmem:s28+$0x70]  }
0x12f: {  	v15 =	vld [tilespmem:s28+$0x400]  }
0x130: {  	v16 =	vld [tilespmem:s28+$0x410]  }
0x131: {  	v17 =	vld [tilespmem:s28+$0x420]  }
0x132: {  	v18 =	vld [tilespmem:s28+$0x430]  }
0x133: {  	v19 =	vld [tilespmem:s28+$0x440]  }
0x134: {  	v20 =	vld [tilespmem:s28+$0x450]  }
0x135: {  	v21 =	vld [tilespmem:s28+$0x460]  }
0x136: {  	v22 =	vld [tilespmem:s28+$0x470]  }
0x137: {  	v23 =	vld [tilespmem:s28+$0x800]  }
0x138: {  	v24 =	vld [tilespmem:s28+$0x810]  }
0x139: {  	v25 =	vld [tilespmem:s28+$0x820]  }
0x13a: {  	v26 =	vld [tilespmem:s28+$0x830]  }
0x13b: {  	v27 =	vld [tilespmem:s28+$0x840]  }
0x13c: {  	v28 =	vld [tilespmem:s28+$0x850]  }
0x13d: {  	v29 =	vld [tilespmem:s28+$0x860]  }
0x13e: {  	v30 =	vld [tilespmem:s28+$0x870]  }
0x13f: {  	v31 =	vld [tilespmem:s28+$0xC00]  }
0x140: {  	v32 =	vld [tilespmem:s28+$0xC10]  }
0x141: {  	v35 =	vld [tilespmem:s28+$0xC20]  }
0x142: {  	v36 =	vld [tilespmem:s28+$0xC30]  }
0x143: {  	v37 =	vld [tilespmem:s28+$0xC40]  }
0x144: {  	v38 =	vld [tilespmem:s28+$0xC50]  }
0x145: {  	v39 =	vld [tilespmem:s28+$0xC60]  }
0x146: {  	v40 =	vld [tilespmem:s28+$0xC70]  }
0x147: {  	v41 =	vld [tilespmem:s28+$0x1000]  }
0x148: {  	v42 =	vld [tilespmem:s28+$0x1010]  }
0x149: {  	v43 =	vld [tilespmem:s28+$0x1020]  }
0x14a: {  	v44 =	vld [tilespmem:s28+$0x1030]  }
0x14b: {  	v45 =	vld [tilespmem:s28+$0x1040]  }
0x14c: {  	v46 =	vld [tilespmem:s28+$0x1050]  }
.Ltmp0:
0x14d: {  	v47 =	vld [tilespmem:s28+$0x1060];
	(pc) =	sbr.rel @p0 .LBB2_2-.Ltmp0, $4  }
0x14e: {  	v48 =	vld [tilespmem:s28+$0x1070]  }
0x14f: {  	v49 =	vld [tilespmem:s28+$0x1400]  }
0x150: {  	v50 =	vld [tilespmem:s28+$0x1410]  }
0x151: {  	s30 =	sadd.s32 $0x1, s30;
	s0 =	sand.u32 $0x30, s29;
	v51 =	vld [tilespmem:s28+$0xD420]  }
0x152: {  	v33 =	vld [tilespmem:s0+$0x18100]  }
0x153: {  	v34 =	vld [tilespmem:s0+$0x18180]  }
0x154: {  	v52 =	vld [tilespmem:s28+$0xD430];
	v53 =	vmov s29  }
0x155: {  	v54 =	vld [tilespmem:s28+$0x1430];
	v53 =	vand.u32 $0xF, v53  }
0x156: {  	v55 =	vld [tilespmem:s28+$0x1420];
	v53 =	vbroadcast v53, $0x0  }
0x157: {  	v56 =	vld [tilespmem:s28+$0xD410]  }
0x158: {  	v57 =	vld [tilespmem:s28+$0xD400];
	v33 =	vperm.xlane v33, v53  }
0x159: {  	v58 =	vld [tilespmem:s28+$0xD060];
	v34 =	vperm.xlane v34, v53  }
0x15a: {  	v61 =	vld [tilespmem:s28+$0xD020];
	v54 =	vmul.f32 v54, v33  }
0x15b: {  	v59 =	vld [tilespmem:s28+$0xD050];
	v52 =	vmul.f32 v52, v34;
	v55 =	vmul.f32 v55, v33  }
0x15c: {  	v51 =	vmul.f32 v51, v34;
	v50 =	vmul.f32 v50, v33  }
0x15d: {  	v60 =	vld [tilespmem:s28+$0xD040];
	v62 =	vmul.f32 v56, v34;
	v49 =	vmul.f32 v49, v33;
	v52 =	vadd.f32 v52, v54  }
0x15e: {  	v53 =	vld [tilespmem:s28+$0xD070];
	v63 =	vmul.f32 v57, v34;
	v47 =	vmul.f32 v47, v33;
	v51 =	vadd.f32 v51, v55  }
0x15f: {  	v58 =	vmul.f32 v58, v34;
	v57 =	vmul.f32 v61, v34;
	v61 =	vld [tilespmem:s28+$0xC870];
	v50 =	vadd.f32 v62, v50;
	[tilespmem:s28+$0x1430] =	vst v52  }
0x160: {  	v46 =	vmul.f32 v46, v33;
	v59 =	vmul.f32 v59, v34;
	v56 =	vld [tilespmem:s28+$0xC440];
	v49 =	vadd.f32 v63, v49;
	[tilespmem:s28+$0x1420] =	vst v51  }
0x161: {  	v43 =	vmul.f32 v43, v33;
	v10 =	vmul.f32 v10, v33;
	v54 =	vld [tilespmem:s28+$0xD030];
	v47 =	vadd.f32 v58, v47;
	[tilespmem:s28+$0x1410] =	vst v50  }
0x162: {  	v11 =	vmul.f32 v11, v34;
	v8 =	vmul.f32 v8, v33;
	v46 =	vadd.f32 v59, v46;
	v58 =	vld [tilespmem:s28+$0xCC20];
	[tilespmem:s28+$0x1400] =	vst v49  }
0x163: {  	v9 =	vmul.f32 v9, v34;
	v6 =	vmul.f32 v6, v33;
	v43 =	vadd.f32 v57, v43;
	v59 =	vld [tilespmem:s28+$0xCC10];
	[tilespmem:s28+$0x1060] =	vst v47  }
0x164: {  	v7 =	vmul.f32 v7, v34;
	v62 =	vmul.f32 v60, v34;
	v60 =	vld [tilespmem:s28+$0xCC00];
	v10 =	vadd.f32 v11, v10;
	[tilespmem:s28+$0x1050] =	vst v46  }
0x165: {  	v45 =	vmul.f32 v45, v33;
	v55 =	vld [tilespmem:s28+$0xC450];
	v8 =	vadd.f32 v9, v8;
	[tilespmem:s28+$0x1020] =	vst v43  }
0x166: {  	v4 =	vmul.f32 v4, v33;
	v5 =	vmul.f32 v5, v34;
	v6 =	vadd.f32 v7, v6;
	v52 =	vld [tilespmem:s28+$0xD010];
	[tilespmem:s28+$0x40] =	vst v10  }
0x167: {  	v48 =	vmul.f32 v48, v33;
	v53 =	vmul.f32 v53, v34;
	v51 =	vld [tilespmem:s28+$0xD000];
	v45 =	vadd.f32 v62, v45;
	[tilespmem:s28+$0x30] =	vst v8  }
0x168: {  	v44 =	vmul.f32 v44, v33;
	v4 =	vadd.f32 v5, v4;
	v50 =	vld [tilespmem:s28+$0xCC70];
	[tilespmem:s28+$0x20] =	vst v6;
	v63 =	vmul.f32 v54, v34  }
0x169: {  	v35 =	vmul.f32 v35, v33;
	v49 =	vld [tilespmem:s28+$0xCC60];
	v48 =	vadd.f32 v53, v48;
	[tilespmem:s28+$0x1040] =	vst v45;
	v45 =	vmul.f32 v58, v34  }
0x16a: {  	v31 =	vmul.f32 v31, v33;
	v47 =	vld [tilespmem:s28+$0xCC40];
	[tilespmem:s28+$0x10] =	vst v4;
	v43 =	vmul.f32 v60, v34;
	v44 =	vadd.f32 v63, v44  }
0x16b: {  	v42 =	vmul.f32 v42, v33;
	v46 =	vld [tilespmem:s28+$0xCC30];
	[tilespmem:s28+$0x1070] =	vst v48;
	v52 =	vmul.f32 v52, v34;
	v35 =	vadd.f32 v45, v35  }
0x16c: {  	v41 =	vmul.f32 v41, v33;
	v57 =	vld [tilespmem:s28+$0xC430];
	v51 =	vmul.f32 v51, v34;
	v31 =	vadd.f32 v43, v31;
	[tilespmem:s28+$0x1030] =	vst v44  }
0x16d: {  	v40 =	vmul.f32 v40, v33;
	v48 =	vld [tilespmem:s28+$0xCC50];
	v50 =	vmul.f32 v50, v34;
	v42 =	vadd.f32 v52, v42;
	[tilespmem:s28+$0xC20] =	vst v35  }
0x16e: {  	v39 =	vmul.f32 v39, v33;
	v54 =	vld [tilespmem:s28+$0xC460];
	v49 =	vmul.f32 v49, v34;
	v41 =	vadd.f32 v51, v41;
	[tilespmem:s28+$0xC00] =	vst v31  }
0x16f: {  	v37 =	vmul.f32 v37, v33;
	v62 =	vld [tilespmem:s28+$0xC860];
	v47 =	vmul.f32 v47, v34;
	v40 =	vadd.f32 v50, v40;
	[tilespmem:s28+$0x1010] =	vst v42  }
0x170: {  	v36 =	vmul.f32 v36, v33;
	v53 =	vld [tilespmem:s28+$0xC470];
	v46 =	vmul.f32 v46, v34;
	v39 =	vadd.f32 v49, v39;
	[tilespmem:s28+$0x1000] =	vst v41  }
0x171: {  	v32 =	vmul.f32 v32, v33;
	v58 =	vld [tilespmem:s28+$0xC420];
	v37 =	vadd.f32 v47, v37;
	v44 =	vmul.f32 v59, v34;
	[tilespmem:s28+$0xC70] =	vst v40  }
0x172: {  	v38 =	vmul.f32 v38, v33;
	v63 =	vld [tilespmem:s28+$0xC850];
	v36 =	vadd.f32 v46, v36;
	v48 =	vmul.f32 v48, v34;
	[tilespmem:s28+$0xC60] =	vst v39  }
0x173: {  	v21 =	vmul.f32 v21, v33;
	v60 =	vld [tilespmem:s28+$0xC400];
	v31 =	vmul.f32 v54, v34;
	[tilespmem:s28+$0xC40] =	vst v37;
	v32 =	vadd.f32 v44, v32  }
0x174: {  	v30 =	vmul.f32 v30, v33;
	v43 =	vld [tilespmem:s28+$0xD470];
	[tilespmem:s28+$0xC30] =	vst v36;
	v42 =	vmul.f32 v61, v34;
	v38 =	vadd.f32 v48, v38  }
0x175: {  	v29 =	vmul.f32 v29, v33;
	v49 =	vld [tilespmem:s28+$0xC830];
	v41 =	vmul.f32 v62, v34;
	v21 =	vadd.f32 v31, v21;
	[tilespmem:s28+$0xC10] =	vst v32  }
0x176: {  	v20 =	vmul.f32 v20, v33;
	v50 =	vld [tilespmem:s28+$0xC820];
	v62 =	vmul.f32 v55, v34;
	v30 =	vadd.f32 v42, v30;
	[tilespmem:s28+$0xC50] =	vst v38  }
0x177: {  	v28 =	vmul.f32 v28, v33;
	v51 =	vld [tilespmem:s28+$0xC810];
	v40 =	vmul.f32 v63, v34;
	v29 =	vadd.f32 v41, v29;
	[tilespmem:s28+$0x460] =	vst v21  }
0x178: {  	v19 =	vmul.f32 v19, v33;
	v52 =	vld [tilespmem:s28+$0xC800];
	v31 =	vmul.f32 v56, v34;
	v20 =	vadd.f32 v62, v20;
	[tilespmem:s28+$0x870] =	vst v30  }
0x179: {  	v22 =	vmul.f32 v22, v33;
	v45 =	vld [tilespmem:s28+$0x1440];
	v32 =	vmul.f32 v53, v34;
	v28 =	vadd.f32 v40, v28;
	[tilespmem:s28+$0x860] =	vst v29  }
0x17a: {  	v26 =	vmul.f32 v26, v33;
	v59 =	vld [tilespmem:s28+$0xC410];
	v38 =	vmul.f32 v49, v34;
	v19 =	vadd.f32 v31, v19;
	[tilespmem:s28+$0x450] =	vst v20  }
0x17b: {  	v25 =	vmul.f32 v25, v33;
	v46 =	vld [tilespmem:s28+$0x1450];
	v37 =	vmul.f32 v50, v34;
	v22 =	vadd.f32 v32, v22;
	[tilespmem:s28+$0x850] =	vst v28  }
0x17c: {  	v24 =	vmul.f32 v24, v33;
	v61 =	vld [tilespmem:s28+$0xC070];
	v36 =	vmul.f32 v51, v34;
	v26 =	vadd.f32 v38, v26;
	[tilespmem:s28+$0x440] =	vst v19  }
0x17d: {  	v23 =	vmul.f32 v23, v33;
	v48 =	vld [tilespmem:s28+$0xC840];
	v35 =	vmul.f32 v52, v34;
	v25 =	vadd.f32 v37, v25;
	[tilespmem:s28+$0x470] =	vst v22  }
0x17e: {  	v15 =	vmul.f32 v15, v33;
	v63 =	vld [tilespmem:s28+$0xC060];
	v40 =	vmul.f32 v60, v34;
	v24 =	vadd.f32 v36, v24;
	[tilespmem:s28+$0x830] =	vst v26  }
0x17f: {  	v18 =	vmul.f32 v18, v33;
	v41 =	vld [tilespmem:s28+$0xD460];
	v23 =	vadd.f32 v35, v23;
	v35 =	vmul.f32 v57, v34;
	[tilespmem:s28+$0x820] =	vst v25  }
0x180: {  	v17 =	vmul.f32 v17, v33;
	v49 =	vld [tilespmem:s28+$0x1470];
	v37 =	vmul.f32 v58, v34;
	v15 =	vadd.f32 v40, v15;
	[tilespmem:s28+$0x810] =	vst v24  }
0x181: {  	v14 =	vmul.f32 v14, v33;
	v50 =	vld [tilespmem:s28+$0x0];
	v42 =	vmul.f32 v61, v34;
	[tilespmem:s28+$0x800] =	vst v23;
	v18 =	vadd.f32 v35, v18  }
0x182: {  	v27 =	vmul.f32 v27, v33;
	v32 =	vld [tilespmem:s28+$0xC050];
	v39 =	vmul.f32 v48, v34;
	v17 =	vadd.f32 v37, v17;
	[tilespmem:s28+$0x400] =	vst v15  }
0x183: {  	v13 =	vmul.f32 v13, v33;
	v36 =	vld [tilespmem:s28+$0xD440];
	v44 =	vmul.f32 v63, v34;
	v14 =	vadd.f32 v42, v14;
	[tilespmem:s28+$0x430] =	vst v18  }
0x184: {  	v16 =	vmul.f32 v16, v33;
	v38 =	vld [tilespmem:s28+$0xD450];
	v27 =	vadd.f32 v39, v27;
	v39 =	vmul.f32 v59, v34;
	[tilespmem:s28+$0x420] =	vst v17  }
0x185: {  	v60 =	vmul.f32 v43, v34;
	v48 =	vld [tilespmem:s28+$0x1460];
	v13 =	vadd.f32 v44, v13;
	v59 =	vmul.f32 v49, v33;
	[tilespmem:s28+$0x70] =	vst v14  }
0x186: {  	v3 =	vmul.f32 v3, v34;
	v61 =	vmul.f32 v50, v33;
	[tilespmem:s28+$0x840] =	vst v27;
	v16 =	vadd.f32 v39, v16  }
0x187: {  	v12 =	vmul.f32 v12, v33;
	v47 =	vmul.f32 v32, v34;
	[tilespmem:s28+$0x60] =	vst v13;
	v63 =	vadd.f32 v60, v59  }
0x188: {  	v51 =	vmul.f32 v45, v33;
	v52 =	vmul.f32 v36, v34;
	v3 =	vadd.f32 v3, v61;
	[tilespmem:s28+$0x410] =	vst v16  }
0x189: {  	v53 =	vmul.f32 v46, v33;
	v54 =	vmul.f32 v38, v34;
	v12 =	vadd.f32 v47, v12;
	[tilespmem:s28+$0x1470] =	vst v63  }
0x18a: {  	v57 =	vmul.f32 v41, v34;
	v56 =	vmul.f32 v48, v33;
	v55 =	vadd.f32 v52, v51;
	[tilespmem:s28+$0x0] =	vst v3  }
0x18b: {  	v58 =	vadd.f32 v54, v53;
	[tilespmem:s28+$0x50] =	vst v12  }
0x18c: {  	s26 =	sadd.s32 $0x1, s26;
	v62 =	vadd.f32 v57, v56;
	[tilespmem:s28+$0x1440] =	vst v55  }
0x18d: {  	p0 =	sne.s32 s26, s11;
	[tilespmem:s28+$0x1450] =	vst v58  }
.Ltmp1:
0x18e: {  	[tilespmem:s28+$0x1460] =	vst v62;
	(pc) =	sbr.rel @p0 .LBB2_1-.Ltmp1, $4  }
0x18f: {  	[hbm4b:s10+s2] =	stream.linear.scatter [tilespmem:s2], [sflag:$0x3], $0xC000, $0x38;
	[tilespmem:$0x18200] =	vst v63  }
0x190: {  	_ =	swait.ge [sflag:s13], $0xC000  }
0x191: {  	[sflag:s13] =	ssyncset.done $0x0  }
0x192: {  	[sflag:s13] =	ssyncadd.s32 $0xFFFF4000  }
0x193: {  	_ =	sfence.sel $0x180000  }
0x194: {  	[bflag:$0x0] =	sbarrier.arrive $0xFFFF  }
0x195: {  	_ =	strace $0x9000004A  }
0x196: {  	s0 =	stileid.u32;
	[bflag:$0x2] =	sbarrier.arrive $0xFFFF  }
0x197: {  	p0 =	sne.s32 s0, $0x0;
	s0 =	rddreg [dreg:$0x2]  }
0x198: {  	s0 =	sadd.s32 @!p0 $0x100000, s0  }
0x199: {  	[sflag:s0] =	ssyncadd.tile.s32 @!p0 $0x1;
	_ =	shalt  }
.Lfunc_end2:
_tile_overlayer_lowered:
.L_overlay_start_2:
0x19a: {  	(tag) =	ssettag $0x2  }
0x19b: {  	s0 =	rddreg [dreg:$0x0];
	s2 =	stileid.u32  }
0x19c: {  	s1 =	rddreg [dreg:$0x1];
	p0 =	sne.s32 s2, $0x0  }
0x19d: {  	s3 =	rddreg [dreg:$0x2];
	[bflag:$0x3] =	sbarrier.arrive $0xFFFF;
	s2 =	simm.s32 @!p0 $0x1C03  }
0x19e: {  	[timem:s3], [sflag:s2] =	dma.local @!p0 [hbm:s0], s1  }
0x19f: {  	s0 =	simm.s32 @!p0 $0x3  }
0x1a0: {  	_ =	swait.ge @!p0 [sflag:s0], s1  }
0x1a1: {  	s1 =	ssub.s32 @!p0 $0x0, s1;
	[sflag:s0] =	ssyncset.done @!p0 $0x0  }
0x1a2: {  	[sflag:s0] =	ssyncadd.s32 @!p0 s1  }
0x1a3: {  	[bflag:$0x3] =	sbarrier.arrive $0xFFFF  }
0x1a4: {  	_ =	shalt  }

</sc_bundles>
